<compile_context>
chip_gen: v7x
topology: tpu7x:2x2x1
jax: 0.10.2.dev20260603
libtpu: 0.0.44.dev20260713+nightly
codegen_flags: <defaults>
</compile_context>

<pallas_src>
import functools

import jax
import jax.numpy as jnp
from jax import lax
from jax.experimental import pallas as pl
from jax.experimental.pallas import tpu as pltpu
from jax.experimental.pallas import tpu_sc as plsc

_NUM_EMBEDDINGS = 100000
_DIM = 128
_B = 4096
_S = 50
_NUM_WORKERS = 32
_B_PER_W = _B // _NUM_WORKERS
_NBUF = 6
_GAHEAD = 4


_mesh = plsc.VectorSubcoreMesh(core_axis_name="c", subcore_axis_name="s")


@functools.partial(
    pl.kernel,
    mesh=_mesh,
    out_type=jax.ShapeDtypeStruct((_S, _B, _DIM), jnp.float32),
    scratch_types=[
        pltpu.VMEM((_S, _B_PER_W), jnp.int32),
        [pltpu.VMEM((_B_PER_W, _DIM), jnp.float32) for _ in range(_NBUF)],
        [pltpu.SemaphoreType.DMA for _ in range(_NBUF)],
        [pltpu.SemaphoreType.DMA for _ in range(_NBUF)],
    ],
    compiler_params=pltpu.CompilerParams(use_tc_tiling_on_sc=True),
)
def _gather_kernel(table_hbm, idx_hbm, out_hbm, idx_v, bufs, gsems, osems):
    wid = lax.axis_index("s") * 2 + lax.axis_index("c")
    base = wid * _B_PER_W

    pltpu.sync_copy(idx_hbm.at[:, pl.ds(base, _B_PER_W)], idx_v)

    def gather(c, b):
        return pltpu.make_async_copy(
            table_hbm.at[idx_v.at[c]], bufs[b], gsems[b])

    def out_copy(c, b):
        return pltpu.make_async_copy(
            bufs[b], out_hbm.at[c, pl.ds(base, _B_PER_W)], osems[b])

    def step(c, jb, wait_o, issue_g):
        gather(c, jb).wait()
        if wait_o:
            out_copy(c - 2, (jb + _GAHEAD) % _NBUF).wait()
        if issue_g:
            gather(c + _GAHEAD, (jb + _GAHEAD) % _NBUF).start()
        out_copy(c, jb).start()

    for c in range(_GAHEAD + 1):
        gather(c, c).start()
    step(0, 0, wait_o=False, issue_g=False)
    gather(_GAHEAD + 1, _GAHEAD + 1).start()
    step(1, 1, wait_o=False, issue_g=False)

    def body(k, _):
        c0 = 2 + _NBUF * k
        for j in range(_NBUF):
            step(c0 + j, (2 + j) % _NBUF, wait_o=True, issue_g=True)
        return ()

    n_loop = (_S - 2 - _GAHEAD - 2) // _NBUF
    lax.fori_loop(0, n_loop, body, ())

    for c in range(2 + n_loop * _NBUF, _S):
        step(c, c % _NBUF, wait_o=True, issue_g=(c + _GAHEAD < _S))
    out_copy(_S - 2, (_S - 2) % _NBUF).wait()
    out_copy(_S - 1, (_S - 1) % _NBUF).wait()


def kernel(x, weight):
    out = _gather_kernel(weight, x.T.astype(jnp.int32))
    return out.transpose(1, 0, 2)

# --- scband reference (transcript-rebuilt; emitter-appended) ---
"""Pipeline reference for scband-embedding-45002667327529 (READ-ONLY COPY).

The authoritative reference and input builder live on the scoring server;
editing this copy changes nothing except your own understanding.
"""

import jax, jax.numpy as jnp
import numpy as np

NUM_EMBEDDINGS = 100000
EMBEDDING_DIM = 128

def setup_inputs(seed: int = 0) -> dict:
    key = jax.random.key(seed)
    k_idx, k_w = jax.random.split(key, 2)
    x = jax.random.randint(k_idx, (4096, 50), 0, NUM_EMBEDDINGS, dtype=jnp.int64 if jax.config.jax_enable_x64 else jnp.int32)
    # learned parameter: embedding table, init ~ normal(stddev=0.02)
    weight = jax.random.normal(k_w, (NUM_EMBEDDINGS, EMBEDDING_DIM), dtype=jnp.float32) * 0.02
    return {"x": x, "weight": weight}

def reference(x, weight):
    # Embedding.__call__: return self.weight[x]
    return jnp.take(weight, x, axis=0)

if __name__ == "__main__":
    import jax
    _d = setup_inputs()
    print(jax.jit(kernel)(*tuple(_d.values())))

</pallas_src>

<mosaic_0001>
#map = affine_map<(d0, d1) -> (0, 0)>
#map1 = affine_map<(d0, d1) -> (0, 0, 0)>
module attributes {stable_mosaic.version = 14 : i64} {
  func.func @_gather_kernel(%arg0: i32, %arg1: i32, %arg2: memref<100000x128xf32, #tpu.memory_space<hbm>>, %arg3: memref<50x4096xi32, #tpu.memory_space<hbm>>, %arg4: memref<50x4096x128xf32, #tpu.memory_space<hbm>>, %arg5: memref<50x128xi32, #tpu.memory_space<vmem>>, %arg6: memref<128x128xf32, #tpu.memory_space<vmem>>, %arg7: memref<128x128xf32, #tpu.memory_space<vmem>>, %arg8: memref<128x128xf32, #tpu.memory_space<vmem>>, %arg9: memref<128x128xf32, #tpu.memory_space<vmem>>, %arg10: memref<128x128xf32, #tpu.memory_space<vmem>>, %arg11: memref<128x128xf32, #tpu.memory_space<vmem>>, %arg12: memref<!tpu.dma_semaphore, #tpu.memory_space<semaphore_mem>>, %arg13: memref<!tpu.dma_semaphore, #tpu.memory_space<semaphore_mem>>, %arg14: memref<!tpu.dma_semaphore, #tpu.memory_space<semaphore_mem>>, %arg15: memref<!tpu.dma_semaphore, #tpu.memory_space<semaphore_mem>>, %arg16: memref<!tpu.dma_semaphore, #tpu.memory_space<semaphore_mem>>, %arg17: memref<!tpu.dma_semaphore, #tpu.memory_space<semaphore_mem>>, %arg18: memref<!tpu.dma_semaphore, #tpu.memory_space<semaphore_mem>>, %arg19: memref<!tpu.dma_semaphore, #tpu.memory_space<semaphore_mem>>, %arg20: memref<!tpu.dma_semaphore, #tpu.memory_space<semaphore_mem>>, %arg21: memref<!tpu.dma_semaphore, #tpu.memory_space<semaphore_mem>>, %arg22: memref<!tpu.dma_semaphore, #tpu.memory_space<semaphore_mem>>, %arg23: memref<!tpu.dma_semaphore, #tpu.memory_space<semaphore_mem>>) attributes {dimension_semantics = [#tpu.dimension_semantics<core_parallel>, #tpu.dimension_semantics<subcore_parallel>], iteration_bounds = array<i64: 2, 16>, scalar_prefetch = 0 : i64, scratch_operands = 19 : i64, tpu.core_type = #tpu.core_type<sc_vector_subcore>, window_params = [{transform_indices = #map}, {transform_indices = #map}, {transform_indices = #map1}]} {
    %mul3A = arith.constant 2 : i32
    %mul3A_0 = arith.muli %arg1, %mul3A : i32
    %add3A = arith.addi %mul3A_0, %arg0 : i32
    %mul3A_1 = arith.constant 128 : i32
    %mul3A_2 = arith.muli %add3A, %mul3A_1 : i32
    "tpu.region"() ({
      %run_scoped3A = tpu.sem_alloc : memref<!tpu.dma_semaphore, #tpu.memory_space<semaphore_mem>>
      %dma_start3A_229 = arith.constant 0 : i32
      %dma_start3A_230 = tpu.memref_slice %arg3[%dma_start3A_229, %mul3A_2] : memref<50x4096xi32, #tpu.memory_space<hbm>> -> memref<50x128xi32, #tpu.memory_space<hbm>>
      %dma_start3A_231 = arith.constant 0 : i32
      %dma_start3A_232 = tpu.memref_slice %arg3[%dma_start3A_231, %mul3A_2] : memref<50x4096xi32, #tpu.memory_space<hbm>> -> memref<50x128xi32, #tpu.memory_space<hbm>>
      tpu.enqueue_dma source(%dma_start3A_232 : memref<50x128xi32, #tpu.memory_space<hbm>>) target(%arg5 : memref<50x128xi32, #tpu.memory_space<vmem>>) target_semaphore(%run_scoped3A : memref<!tpu.dma_semaphore, #tpu.memory_space<semaphore_mem>>)
      %dma_wait3A_233 = arith.constant 0 : i32
      %dma_wait3A_234 = tpu.memref_slice %arg3[%dma_wait3A_233, %mul3A_2] : memref<50x4096xi32, #tpu.memory_space<hbm>> -> memref<50x128xi32, #tpu.memory_space<hbm>>
      %dma_wait3A_235 = arith.constant 0 : i32
      %dma_wait3A_236 = tpu.memref_slice %arg3[%dma_wait3A_235, %mul3A_2] : memref<50x4096xi32, #tpu.memory_space<hbm>> -> memref<50x128xi32, #tpu.memory_space<hbm>>
      tpu.wait_dma2 semaphore(%run_scoped3A : memref<!tpu.dma_semaphore, #tpu.memory_space<semaphore_mem>>) src(%dma_wait3A_236 : memref<50x128xi32, #tpu.memory_space<hbm>>) dst(%arg5 : memref<50x128xi32, #tpu.memory_space<vmem>>)
      tpu.yield
    }) : () -> ()
    %dma_start3A = arith.constant 0 : i32
    %dma_start3A_3 = arith.constant 0 : i32
    %dma_start3A_4 = tpu.memref_slice %arg5[%dma_start3A, %dma_start3A_3] : memref<50x128xi32, #tpu.memory_space<vmem>> -> memref<1x128xi32, #tpu.memory_space<vmem>>
    %dma_start3A_5 = tpu.memref_squeeze %dma_start3A_4 : memref<1x128xi32, #tpu.memory_space<vmem>> -> memref<128xi32, #tpu.memory_space<vmem>>
    %dma_start3A_6 = arith.constant 0 : i32
    %dma_start3A_7 = arith.constant 0 : i32
    %dma_start3A_8 = tpu.memref_slice %arg2[%dma_start3A_6, %dma_start3A_7] : memref<100000x128xf32, #tpu.memory_space<hbm>> -> memref<100000x128xf32, #tpu.memory_space<hbm>>
    tpu.enqueue_indirect_dma source(%dma_start3A_8 : memref<100000x128xf32, #tpu.memory_space<hbm>>) target(%arg6 : memref<128x128xf32, #tpu.memory_space<vmem>>) offsets(%dma_start3A_5 : memref<128xi32, #tpu.memory_space<vmem>>) semaphore(%arg12 : memref<!tpu.dma_semaphore, #tpu.memory_space<semaphore_mem>>)
    %dma_start3A_9 = arith.constant 1 : i32
    %dma_start3A_10 = arith.constant 0 : i32
    %dma_start3A_11 = tpu.memref_slice %arg5[%dma_start3A_9, %dma_start3A_10] : memref<50x128xi32, #tpu.memory_space<vmem>> -> memref<1x128xi32, #tpu.memory_space<vmem>>
    %dma_start3A_12 = tpu.memref_squeeze %dma_start3A_11 : memref<1x128xi32, #tpu.memory_space<vmem>> -> memref<128xi32, #tpu.memory_space<vmem>>
    %dma_start3A_13 = arith.constant 0 : i32
    %dma_start3A_14 = arith.constant 0 : i32
    %dma_start3A_15 = tpu.memref_slice %arg2[%dma_start3A_13, %dma_start3A_14] : memref<100000x128xf32, #tpu.memory_space<hbm>> -> memref<100000x128xf32, #tpu.memory_space<hbm>>
    tpu.enqueue_indirect_dma source(%dma_start3A_15 : memref<100000x128xf32, #tpu.memory_space<hbm>>) target(%arg7 : memref<128x128xf32, #tpu.memory_space<vmem>>) offsets(%dma_start3A_12 : memref<128xi32, #tpu.memory_space<vmem>>) semaphore(%arg13 : memref<!tpu.dma_semaphore, #tpu.memory_space<semaphore_mem>>)
    %dma_start3A_16 = arith.constant 2 : i32
    %dma_start3A_17 = arith.constant 0 : i32
    %dma_start3A_18 = tpu.memref_slice %arg5[%dma_start3A_16, %dma_start3A_17] : memref<50x128xi32, #tpu.memory_space<vmem>> -> memref<1x128xi32, #tpu.memory_space<vmem>>
    %dma_start3A_19 = tpu.memref_squeeze %dma_start3A_18 : memref<1x128xi32, #tpu.memory_space<vmem>> -> memref<128xi32, #tpu.memory_space<vmem>>
    %dma_start3A_20 = arith.constant 0 : i32
    %dma_start3A_21 = arith.constant 0 : i32
    %dma_start3A_22 = tpu.memref_slice %arg2[%dma_start3A_20, %dma_start3A_21] : memref<100000x128xf32, #tpu.memory_space<hbm>> -> memref<100000x128xf32, #tpu.memory_space<hbm>>
    tpu.enqueue_indirect_dma source(%dma_start3A_22 : memref<100000x128xf32, #tpu.memory_space<hbm>>) target(%arg8 : memref<128x128xf32, #tpu.memory_space<vmem>>) offsets(%dma_start3A_19 : memref<128xi32, #tpu.memory_space<vmem>>) semaphore(%arg14 : memref<!tpu.dma_semaphore, #tpu.memory_space<semaphore_mem>>)
    %dma_start3A_23 = arith.constant 3 : i32
    %dma_start3A_24 = arith.constant 0 : i32
    %dma_start3A_25 = tpu.memref_slice %arg5[%dma_start3A_23, %dma_start3A_24] : memref<50x128xi32, #tpu.memory_space<vmem>> -> memref<1x128xi32, #tpu.memory_space<vmem>>
    %dma_start3A_26 = tpu.memref_squeeze %dma_start3A_25 : memref<1x128xi32, #tpu.memory_space<vmem>> -> memref<128xi32, #tpu.memory_space<vmem>>
    %dma_start3A_27 = arith.constant 0 : i32
    %dma_start3A_28 = arith.constant 0 : i32
    %dma_start3A_29 = tpu.memref_slice %arg2[%dma_start3A_27, %dma_start3A_28] : memref<100000x128xf32, #tpu.memory_space<hbm>> -> memref<100000x128xf32, #tpu.memory_space<hbm>>
    tpu.enqueue_indirect_dma source(%dma_start3A_29 : memref<100000x128xf32, #tpu.memory_space<hbm>>) target(%arg9 : memref<128x128xf32, #tpu.memory_space<vmem>>) offsets(%dma_start3A_26 : memref<128xi32, #tpu.memory_space<vmem>>) semaphore(%arg15 : memref<!tpu.dma_semaphore, #tpu.memory_space<semaphore_mem>>)
    %dma_start3A_30 = arith.constant 4 : i32
    %dma_start3A_31 = arith.constant 0 : i32
    %dma_start3A_32 = tpu.memref_slice %arg5[%dma_start3A_30, %dma_start3A_31] : memref<50x128xi32, #tpu.memory_space<vmem>> -> memref<1x128xi32, #tpu.memory_space<vmem>>
    %dma_start3A_33 = tpu.memref_squeeze %dma_start3A_32 : memref<1x128xi32, #tpu.memory_space<vmem>> -> memref<128xi32, #tpu.memory_space<vmem>>
    %dma_start3A_34 = arith.constant 0 : i32
    %dma_start3A_35 = arith.constant 0 : i32
    %dma_start3A_36 = tpu.memref_slice %arg2[%dma_start3A_34, %dma_start3A_35] : memref<100000x128xf32, #tpu.memory_space<hbm>> -> memref<100000x128xf32, #tpu.memory_space<hbm>>
    tpu.enqueue_indirect_dma source(%dma_start3A_36 : memref<100000x128xf32, #tpu.memory_space<hbm>>) target(%arg10 : memref<128x128xf32, #tpu.memory_space<vmem>>) offsets(%dma_start3A_33 : memref<128xi32, #tpu.memory_space<vmem>>) semaphore(%arg16 : memref<!tpu.dma_semaphore, #tpu.memory_space<semaphore_mem>>)
    %dma_wait3A = arith.constant 0 : i32
    %dma_wait3A_37 = arith.constant 0 : i32
    %dma_wait3A_38 = tpu.memref_slice %arg5[%dma_wait3A, %dma_wait3A_37] : memref<50x128xi32, #tpu.memory_space<vmem>> -> memref<1x128xi32, #tpu.memory_space<vmem>>
    %dma_wait3A_39 = tpu.memref_squeeze %dma_wait3A_38 : memref<1x128xi32, #tpu.memory_space<vmem>> -> memref<128xi32, #tpu.memory_space<vmem>>
    %dma_wait3A_40 = arith.constant 0 : i32
    %dma_wait3A_41 = arith.constant 0 : i32
    %dma_wait3A_42 = tpu.memref_slice %arg2[%dma_wait3A_40, %dma_wait3A_41] : memref<100000x128xf32, #tpu.memory_space<hbm>> -> memref<100000x128xf32, #tpu.memory_space<hbm>>
    tpu.wait_indirect_dma semaphore(%arg12 : memref<!tpu.dma_semaphore, #tpu.memory_space<semaphore_mem>>) src(%dma_wait3A_42 : memref<100000x128xf32, #tpu.memory_space<hbm>>) dst(%arg6 : memref<128x128xf32, #tpu.memory_space<vmem>>)
    %dma_start3A_43 = arith.constant 0 : i32
    %dma_start3A_44 = arith.constant 0 : i32
    %dma_start3A_45 = tpu.memref_slice %arg4[%dma_start3A_43, %mul3A_2, %dma_start3A_44] : memref<50x4096x128xf32, #tpu.memory_space<hbm>> -> memref<1x128x128xf32, #tpu.memory_space<hbm>>
    %dma_start3A_46 = tpu.memref_squeeze %dma_start3A_45 : memref<1x128x128xf32, #tpu.memory_space<hbm>> -> memref<128x128xf32, #tpu.memory_space<hbm>>
    %dma_start3A_47 = arith.constant 0 : i32
    %dma_start3A_48 = tpu.memref_slice %arg4[%dma_start3A_43, %mul3A_2, %dma_start3A_47] : memref<50x4096x128xf32, #tpu.memory_space<hbm>> -> memref<1x128x128xf32, #tpu.memory_space<hbm>>
    %dma_start3A_49 = tpu.memref_squeeze %dma_start3A_48 : memref<1x128x128xf32, #tpu.memory_space<hbm>> -> memref<128x128xf32, #tpu.memory_space<hbm>>
    tpu.enqueue_dma source(%arg6 : memref<128x128xf32, #tpu.memory_space<vmem>>) target(%dma_start3A_49 : memref<128x128xf32, #tpu.memory_space<hbm>>) target_semaphore(%arg18 : memref<!tpu.dma_semaphore, #tpu.memory_space<semaphore_mem>>)
    %dma_start3A_50 = arith.constant 5 : i32
    %dma_start3A_51 = arith.constant 0 : i32
    %dma_start3A_52 = tpu.memref_slice %arg5[%dma_start3A_50, %dma_start3A_51] : memref<50x128xi32, #tpu.memory_space<vmem>> -> memref<1x128xi32, #tpu.memory_space<vmem>>
    %dma_start3A_53 = tpu.memref_squeeze %dma_start3A_52 : memref<1x128xi32, #tpu.memory_space<vmem>> -> memref<128xi32, #tpu.memory_space<vmem>>
    %dma_start3A_54 = arith.constant 0 : i32
    %dma_start3A_55 = arith.constant 0 : i32
    %dma_start3A_56 = tpu.memref_slice %arg2[%dma_start3A_54, %dma_start3A_55] : memref<100000x128xf32, #tpu.memory_space<hbm>> -> memref<100000x128xf32, #tpu.memory_space<hbm>>
    tpu.enqueue_indirect_dma source(%dma_start3A_56 : memref<100000x128xf32, #tpu.memory_space<hbm>>) target(%arg11 : memref<128x128xf32, #tpu.memory_space<vmem>>) offsets(%dma_start3A_53 : memref<128xi32, #tpu.memory_space<vmem>>) semaphore(%arg17 : memref<!tpu.dma_semaphore, #tpu.memory_space<semaphore_mem>>)
    %dma_wait3A_57 = arith.constant 1 : i32
    %dma_wait3A_58 = arith.constant 0 : i32
    %dma_wait3A_59 = tpu.memref_slice %arg5[%dma_wait3A_57, %dma_wait3A_58] : memref<50x128xi32, #tpu.memory_space<vmem>> -> memref<1x128xi32, #tpu.memory_space<vmem>>
    %dma_wait3A_60 = tpu.memref_squeeze %dma_wait3A_59 : memref<1x128xi32, #tpu.memory_space<vmem>> -> memref<128xi32, #tpu.memory_space<vmem>>
    %dma_wait3A_61 = arith.constant 0 : i32
    %dma_wait3A_62 = arith.constant 0 : i32
    %dma_wait3A_63 = tpu.memref_slice %arg2[%dma_wait3A_61, %dma_wait3A_62] : memref<100000x128xf32, #tpu.memory_space<hbm>> -> memref<100000x128xf32, #tpu.memory_space<hbm>>
    tpu.wait_indirect_dma semaphore(%arg13 : memref<!tpu.dma_semaphore, #tpu.memory_space<semaphore_mem>>) src(%dma_wait3A_63 : memref<100000x128xf32, #tpu.memory_space<hbm>>) dst(%arg7 : memref<128x128xf32, #tpu.memory_space<vmem>>)
    %dma_start3A_64 = arith.constant 1 : i32
    %dma_start3A_65 = arith.constant 0 : i32
    %dma_start3A_66 = tpu.memref_slice %arg4[%dma_start3A_64, %mul3A_2, %dma_start3A_65] : memref<50x4096x128xf32, #tpu.memory_space<hbm>> -> memref<1x128x128xf32, #tpu.memory_space<hbm>>
    %dma_start3A_67 = tpu.memref_squeeze %dma_start3A_66 : memref<1x128x128xf32, #tpu.memory_space<hbm>> -> memref<128x128xf32, #tpu.memory_space<hbm>>
    %dma_start3A_68 = arith.constant 0 : i32
    %dma_start3A_69 = tpu.memref_slice %arg4[%dma_start3A_64, %mul3A_2, %dma_start3A_68] : memref<50x4096x128xf32, #tpu.memory_space<hbm>> -> memref<1x128x128xf32, #tpu.memory_space<hbm>>
    %dma_start3A_70 = tpu.memref_squeeze %dma_start3A_69 : memref<1x128x128xf32, #tpu.memory_space<hbm>> -> memref<128x128xf32, #tpu.memory_space<hbm>>
    tpu.enqueue_dma source(%arg7 : memref<128x128xf32, #tpu.memory_space<vmem>>) target(%dma_start3A_70 : memref<128x128xf32, #tpu.memory_space<hbm>>) target_semaphore(%arg19 : memref<!tpu.dma_semaphore, #tpu.memory_space<semaphore_mem>>)
    %scan3A = arith.constant 0 : i32
    %scan3A_71 = arith.constant 7 : i32
    %scan3A_72 = arith.addi %scan3A, %scan3A_71 : i32
    %scan3A_73 = arith.constant 1 : i32
    scf.for %scan3A_229 = %scan3A to %scan3A_72 step %scan3A_73  : i32 {
      %mul3A_230 = arith.constant 6 : i32
      %mul3A_231 = arith.muli %mul3A_230, %scan3A_229 : i32
      %add3A_232 = arith.constant 2 : i32
      %add3A_233 = arith.addi %add3A_232, %mul3A_231 : i32
      %add3A_234 = arith.constant 0 : i32
      %add3A_235 = arith.addi %add3A_233, %add3A_234 : i32
      %dma_wait3A_236 = arith.constant 0 : i32
      %dma_wait3A_237 = tpu.memref_slice %arg5[%add3A_235, %dma_wait3A_236] : memref<50x128xi32, #tpu.memory_space<vmem>> -> memref<1x128xi32, #tpu.memory_space<vmem>>
      %dma_wait3A_238 = tpu.memref_squeeze %dma_wait3A_237 : memref<1x128xi32, #tpu.memory_space<vmem>> -> memref<128xi32, #tpu.memory_space<vmem>>
      %dma_wait3A_239 = arith.constant 0 : i32
      %dma_wait3A_240 = arith.constant 0 : i32
      %dma_wait3A_241 = tpu.memref_slice %arg2[%dma_wait3A_239, %dma_wait3A_240] : memref<100000x128xf32, #tpu.memory_space<hbm>> -> memref<100000x128xf32, #tpu.memory_space<hbm>>
      tpu.wait_indirect_dma semaphore(%arg14 : memref<!tpu.dma_semaphore, #tpu.memory_space<semaphore_mem>>) src(%dma_wait3A_241 : memref<100000x128xf32, #tpu.memory_space<hbm>>) dst(%arg8 : memref<128x128xf32, #tpu.memory_space<vmem>>)
      %sub3A = arith.constant 2 : i32
      %sub3A_242 = arith.subi %add3A_235, %sub3A : i32
      %dma_wait3A_243 = arith.constant 0 : i32
      %dma_wait3A_244 = tpu.memref_slice %arg4[%sub3A_242, %mul3A_2, %dma_wait3A_243] : memref<50x4096x128xf32, #tpu.memory_space<hbm>> -> memref<1x128x128xf32, #tpu.memory_space<hbm>>
      %dma_wait3A_245 = tpu.memref_squeeze %dma_wait3A_244 : memref<1x128x128xf32, #tpu.memory_space<hbm>> -> memref<128x128xf32, #tpu.memory_space<hbm>>
      %dma_wait3A_246 = arith.constant 0 : i32
      %dma_wait3A_247 = tpu.memref_slice %arg4[%sub3A_242, %mul3A_2, %dma_wait3A_246] : memref<50x4096x128xf32, #tpu.memory_space<hbm>> -> memref<1x128x128xf32, #tpu.memory_space<hbm>>
      %dma_wait3A_248 = tpu.memref_squeeze %dma_wait3A_247 : memref<1x128x128xf32, #tpu.memory_space<hbm>> -> memref<128x128xf32, #tpu.memory_space<hbm>>
      tpu.wait_dma2 semaphore(%arg18 : memref<!tpu.dma_semaphore, #tpu.memory_space<semaphore_mem>>) src(%arg6 : memref<128x128xf32, #tpu.memory_space<vmem>>) dst(%dma_wait3A_248 : memref<128x128xf32, #tpu.memory_space<hbm>>)
      %add3A_249 = arith.constant 4 : i32
      %add3A_250 = arith.addi %add3A_235, %add3A_249 : i32
      %dma_start3A_251 = arith.constant 0 : i32
      %dma_start3A_252 = tpu.memref_slice %arg5[%add3A_250, %dma_start3A_251] : memref<50x128xi32, #tpu.memory_space<vmem>> -> memref<1x128xi32, #tpu.memory_space<vmem>>
      %dma_start3A_253 = tpu.memref_squeeze %dma_start3A_252 : memref<1x128xi32, #tpu.memory_space<vmem>> -> memref<128xi32, #tpu.memory_space<vmem>>
      %dma_start3A_254 = arith.constant 0 : i32
      %dma_start3A_255 = arith.constant 0 : i32
      %dma_start3A_256 = tpu.memref_slice %arg2[%dma_start3A_254, %dma_start3A_255] : memref<100000x128xf32, #tpu.memory_space<hbm>> -> memref<100000x128xf32, #tpu.memory_space<hbm>>
      tpu.enqueue_indirect_dma source(%dma_start3A_256 : memref<100000x128xf32, #tpu.memory_space<hbm>>) target(%arg6 : memref<128x128xf32, #tpu.memory_space<vmem>>) offsets(%dma_start3A_253 : memref<128xi32, #tpu.memory_space<vmem>>) semaphore(%arg12 : memref<!tpu.dma_semaphore, #tpu.memory_space<semaphore_mem>>)
      %dma_start3A_257 = arith.constant 0 : i32
      %dma_start3A_258 = tpu.memref_slice %arg4[%add3A_235, %mul3A_2, %dma_start3A_257] : memref<50x4096x128xf32, #tpu.memory_space<hbm>> -> memref<1x128x128xf32, #tpu.memory_space<hbm>>
      %dma_start3A_259 = tpu.memref_squeeze %dma_start3A_258 : memref<1x128x128xf32, #tpu.memory_space<hbm>> -> memref<128x128xf32, #tpu.memory_space<hbm>>
      %dma_start3A_260 = arith.constant 0 : i32
      %dma_start3A_261 = tpu.memref_slice %arg4[%add3A_235, %mul3A_2, %dma_start3A_260] : memref<50x4096x128xf32, #tpu.memory_space<hbm>> -> memref<1x128x128xf32, #tpu.memory_space<hbm>>
      %dma_start3A_262 = tpu.memref_squeeze %dma_start3A_261 : memref<1x128x128xf32, #tpu.memory_space<hbm>> -> memref<128x128xf32, #tpu.memory_space<hbm>>
      tpu.enqueue_dma source(%arg8 : memref<128x128xf32, #tpu.memory_space<vmem>>) target(%dma_start3A_262 : memref<128x128xf32, #tpu.memory_space<hbm>>) target_semaphore(%arg20 : memref<!tpu.dma_semaphore, #tpu.memory_space<semaphore_mem>>)
      %add3A_263 = arith.constant 1 : i32
      %add3A_264 = arith.addi %add3A_233, %add3A_263 : i32
      %dma_wait3A_265 = arith.constant 0 : i32
      %dma_wait3A_266 = tpu.memref_slice %arg5[%add3A_264, %dma_wait3A_265] : memref<50x128xi32, #tpu.memory_space<vmem>> -> memref<1x128xi32, #tpu.memory_space<vmem>>
      %dma_wait3A_267 = tpu.memref_squeeze %dma_wait3A_266 : memref<1x128xi32, #tpu.memory_space<vmem>> -> memref<128xi32, #tpu.memory_space<vmem>>
      %dma_wait3A_268 = arith.constant 0 : i32
      %dma_wait3A_269 = arith.constant 0 : i32
      %dma_wait3A_270 = tpu.memref_slice %arg2[%dma_wait3A_268, %dma_wait3A_269] : memref<100000x128xf32, #tpu.memory_space<hbm>> -> memref<100000x128xf32, #tpu.memory_space<hbm>>
      tpu.wait_indirect_dma semaphore(%arg15 : memref<!tpu.dma_semaphore, #tpu.memory_space<semaphore_mem>>) src(%dma_wait3A_270 : memref<100000x128xf32, #tpu.memory_space<hbm>>) dst(%arg9 : memref<128x128xf32, #tpu.memory_space<vmem>>)
      %sub3A_271 = arith.constant 2 : i32
      %sub3A_272 = arith.subi %add3A_264, %sub3A_271 : i32
      %dma_wait3A_273 = arith.constant 0 : i32
      %dma_wait3A_274 = tpu.memref_slice %arg4[%sub3A_272, %mul3A_2, %dma_wait3A_273] : memref<50x4096x128xf32, #tpu.memory_space<hbm>> -> memref<1x128x128xf32, #tpu.memory_space<hbm>>
      %dma_wait3A_275 = tpu.memref_squeeze %dma_wait3A_274 : memref<1x128x128xf32, #tpu.memory_space<hbm>> -> memref<128x128xf32, #tpu.memory_space<hbm>>
      %dma_wait3A_276 = arith.constant 0 : i32
      %dma_wait3A_277 = tpu.memref_slice %arg4[%sub3A_272, %mul3A_2, %dma_wait3A_276] : memref<50x4096x128xf32, #tpu.memory_space<hbm>> -> memref<1x128x128xf32, #tpu.memory_space<hbm>>
      %dma_wait3A_278 = tpu.memref_squeeze %dma_wait3A_277 : memref<1x128x128xf32, #tpu.memory_space<hbm>> -> memref<128x128xf32, #tpu.memory_space<hbm>>
      tpu.wait_dma2 semaphore(%arg19 : memref<!tpu.dma_semaphore, #tpu.memory_space<semaphore_mem>>) src(%arg7 : memref<128x128xf32, #tpu.memory_space<vmem>>) dst(%dma_wait3A_278 : memref<128x128xf32, #tpu.memory_space<hbm>>)
      %add3A_279 = arith.constant 4 : i32
      %add3A_280 = arith.addi %add3A_264, %add3A_279 : i32
      %dma_start3A_281 = arith.constant 0 : i32
      %dma_start3A_282 = tpu.memref_slice %arg5[%add3A_280, %dma_start3A_281] : memref<50x128xi32, #tpu.memory_space<vmem>> -> memref<1x128xi32, #tpu.memory_space<vmem>>
      %dma_start3A_283 = tpu.memref_squeeze %dma_start3A_282 : memref<1x128xi32, #tpu.memory_space<vmem>> -> memref<128xi32, #tpu.memory_space<vmem>>
      %dma_start3A_284 = arith.constant 0 : i32
      %dma_start3A_285 = arith.constant 0 : i32
      %dma_start3A_286 = tpu.memref_slice %arg2[%dma_start3A_284, %dma_start3A_285] : memref<100000x128xf32, #tpu.memory_space<hbm>> -> memref<100000x128xf32, #tpu.memory_space<hbm>>
      tpu.enqueue_indirect_dma source(%dma_start3A_286 : memref<100000x128xf32, #tpu.memory_space<hbm>>) target(%arg7 : memref<128x128xf32, #tpu.memory_space<vmem>>) offsets(%dma_start3A_283 : memref<128xi32, #tpu.memory_space<vmem>>) semaphore(%arg13 : memref<!tpu.dma_semaphore, #tpu.memory_space<semaphore_mem>>)
      %dma_start3A_287 = arith.constant 0 : i32
      %dma_start3A_288 = tpu.memref_slice %arg4[%add3A_264, %mul3A_2, %dma_start3A_287] : memref<50x4096x128xf32, #tpu.memory_space<hbm>> -> memref<1x128x128xf32, #tpu.memory_space<hbm>>
      %dma_start3A_289 = tpu.memref_squeeze %dma_start3A_288 : memref<1x128x128xf32, #tpu.memory_space<hbm>> -> memref<128x128xf32, #tpu.memory_space<hbm>>
      %dma_start3A_290 = arith.constant 0 : i32
      %dma_start3A_291 = tpu.memref_slice %arg4[%add3A_264, %mul3A_2, %dma_start3A_290] : memref<50x4096x128xf32, #tpu.memory_space<hbm>> -> memref<1x128x128xf32, #tpu.memory_space<hbm>>
      %dma_start3A_292 = tpu.memref_squeeze %dma_start3A_291 : memref<1x128x128xf32, #tpu.memory_space<hbm>> -> memref<128x128xf32, #tpu.memory_space<hbm>>
      tpu.enqueue_dma source(%arg9 : memref<128x128xf32, #tpu.memory_space<vmem>>) target(%dma_start3A_292 : memref<128x128xf32, #tpu.memory_space<hbm>>) target_semaphore(%arg21 : memref<!tpu.dma_semaphore, #tpu.memory_space<semaphore_mem>>)
      %add3A_293 = arith.constant 2 : i32
      %add3A_294 = arith.addi %add3A_233, %add3A_293 : i32
      %dma_wait3A_295 = arith.constant 0 : i32
      %dma_wait3A_296 = tpu.memref_slice %arg5[%add3A_294, %dma_wait3A_295] : memref<50x128xi32, #tpu.memory_space<vmem>> -> memref<1x128xi32, #tpu.memory_space<vmem>>
      %dma_wait3A_297 = tpu.memref_squeeze %dma_wait3A_296 : memref<1x128xi32, #tpu.memory_space<vmem>> -> memref<128xi32, #tpu.memory_space<vmem>>
      %dma_wait3A_298 = arith.constant 0 : i32
      %dma_wait3A_299 = arith.constant 0 : i32
      %dma_wait3A_300 = tpu.memref_slice %arg2[%dma_wait3A_298, %dma_wait3A_299] : memref<100000x128xf32, #tpu.memory_space<hbm>> -> memref<100000x128xf32, #tpu.memory_space<hbm>>
      tpu.wait_indirect_dma semaphore(%arg16 : memref<!tpu.dma_semaphore, #tpu.memory_space<semaphore_mem>>) src(%dma_wait3A_300 : memref<100000x128xf32, #tpu.memory_space<hbm>>) dst(%arg10 : memref<128x128xf32, #tpu.memory_space<vmem>>)
      %sub3A_301 = arith.constant 2 : i32
      %sub3A_302 = arith.subi %add3A_294, %sub3A_301 : i32
      %dma_wait3A_303 = arith.constant 0 : i32
      %dma_wait3A_304 = tpu.memref_slice %arg4[%sub3A_302, %mul3A_2, %dma_wait3A_303] : memref<50x4096x128xf32, #tpu.memory_space<hbm>> -> memref<1x128x128xf32, #tpu.memory_space<hbm>>
      %dma_wait3A_305 = tpu.memref_squeeze %dma_wait3A_304 : memref<1x128x128xf32, #tpu.memory_space<hbm>> -> memref<128x128xf32, #tpu.memory_space<hbm>>
      %dma_wait3A_306 = arith.constant 0 : i32
      %dma_wait3A_307 = tpu.memref_slice %arg4[%sub3A_302, %mul3A_2, %dma_wait3A_306] : memref<50x4096x128xf32, #tpu.memory_space<hbm>> -> memref<1x128x128xf32, #tpu.memory_space<hbm>>
      %dma_wait3A_308 = tpu.memref_squeeze %dma_wait3A_307 : memref<1x128x128xf32, #tpu.memory_space<hbm>> -> memref<128x128xf32, #tpu.memory_space<hbm>>
      tpu.wait_dma2 semaphore(%arg20 : memref<!tpu.dma_semaphore, #tpu.memory_space<semaphore_mem>>) src(%arg8 : memref<128x128xf32, #tpu.memory_space<vmem>>) dst(%dma_wait3A_308 : memref<128x128xf32, #tpu.memory_space<hbm>>)
      %add3A_309 = arith.constant 4 : i32
      %add3A_310 = arith.addi %add3A_294, %add3A_309 : i32
      %dma_start3A_311 = arith.constant 0 : i32
      %dma_start3A_312 = tpu.memref_slice %arg5[%add3A_310, %dma_start3A_311] : memref<50x128xi32, #tpu.memory_space<vmem>> -> memref<1x128xi32, #tpu.memory_space<vmem>>
      %dma_start3A_313 = tpu.memref_squeeze %dma_start3A_312 : memref<1x128xi32, #tpu.memory_space<vmem>> -> memref<128xi32, #tpu.memory_space<vmem>>
      %dma_start3A_314 = arith.constant 0 : i32
      %dma_start3A_315 = arith.constant 0 : i32
      %dma_start3A_316 = tpu.memref_slice %arg2[%dma_start3A_314, %dma_start3A_315] : memref<100000x128xf32, #tpu.memory_space<hbm>> -> memref<100000x128xf32, #tpu.memory_space<hbm>>
      tpu.enqueue_indirect_dma source(%dma_start3A_316 : memref<100000x128xf32, #tpu.memory_space<hbm>>) target(%arg8 : memref<128x128xf32, #tpu.memory_space<vmem>>) offsets(%dma_start3A_313 : memref<128xi32, #tpu.memory_space<vmem>>) semaphore(%arg14 : memref<!tpu.dma_semaphore, #tpu.memory_space<semaphore_mem>>)
      %dma_start3A_317 = arith.constant 0 : i32
      %dma_start3A_318 = tpu.memref_slice %arg4[%add3A_294, %mul3A_2, %dma_start3A_317] : memref<50x4096x128xf32, #tpu.memory_space<hbm>> -> memref<1x128x128xf32, #tpu.memory_space<hbm>>
      %dma_start3A_319 = tpu.memref_squeeze %dma_start3A_318 : memref<1x128x128xf32, #tpu.memory_space<hbm>> -> memref<128x128xf32, #tpu.memory_space<hbm>>
      %dma_start3A_320 = arith.constant 0 : i32
      %dma_start3A_321 = tpu.memref_slice %arg4[%add3A_294, %mul3A_2, %dma_start3A_320] : memref<50x4096x128xf32, #tpu.memory_space<hbm>> -> memref<1x128x128xf32, #tpu.memory_space<hbm>>
      %dma_start3A_322 = tpu.memref_squeeze %dma_start3A_321 : memref<1x128x128xf32, #tpu.memory_space<hbm>> -> memref<128x128xf32, #tpu.memory_space<hbm>>
      tpu.enqueue_dma source(%arg10 : memref<128x128xf32, #tpu.memory_space<vmem>>) target(%dma_start3A_322 : memref<128x128xf32, #tpu.memory_space<hbm>>) target_semaphore(%arg22 : memref<!tpu.dma_semaphore, #tpu.memory_space<semaphore_mem>>)
      %add3A_323 = arith.constant 3 : i32
      %add3A_324 = arith.addi %add3A_233, %add3A_323 : i32
      %dma_wait3A_325 = arith.constant 0 : i32
      %dma_wait3A_326 = tpu.memref_slice %arg5[%add3A_324, %dma_wait3A_325] : memref<50x128xi32, #tpu.memory_space<vmem>> -> memref<1x128xi32, #tpu.memory_space<vmem>>
      %dma_wait3A_327 = tpu.memref_squeeze %dma_wait3A_326 : memref<1x128xi32, #tpu.memory_space<vmem>> -> memref<128xi32, #tpu.memory_space<vmem>>
      %dma_wait3A_328 = arith.constant 0 : i32
      %dma_wait3A_329 = arith.constant 0 : i32
      %dma_wait3A_330 = tpu.memref_slice %arg2[%dma_wait3A_328, %dma_wait3A_329] : memref<100000x128xf32, #tpu.memory_space<hbm>> -> memref<100000x128xf32, #tpu.memory_space<hbm>>
      tpu.wait_indirect_dma semaphore(%arg17 : memref<!tpu.dma_semaphore, #tpu.memory_space<semaphore_mem>>) src(%dma_wait3A_330 : memref<100000x128xf32, #tpu.memory_space<hbm>>) dst(%arg11 : memref<128x128xf32, #tpu.memory_space<vmem>>)
      %sub3A_331 = arith.constant 2 : i32
      %sub3A_332 = arith.subi %add3A_324, %sub3A_331 : i32
      %dma_wait3A_333 = arith.constant 0 : i32
      %dma_wait3A_334 = tpu.memref_slice %arg4[%sub3A_332, %mul3A_2, %dma_wait3A_333] : memref<50x4096x128xf32, #tpu.memory_space<hbm>> -> memref<1x128x128xf32, #tpu.memory_space<hbm>>
      %dma_wait3A_335 = tpu.memref_squeeze %dma_wait3A_334 : memref<1x128x128xf32, #tpu.memory_space<hbm>> -> memref<128x128xf32, #tpu.memory_space<hbm>>
      %dma_wait3A_336 = arith.constant 0 : i32
      %dma_wait3A_337 = tpu.memref_slice %arg4[%sub3A_332, %mul3A_2, %dma_wait3A_336] : memref<50x4096x128xf32, #tpu.memory_space<hbm>> -> memref<1x128x128xf32, #tpu.memory_space<hbm>>
      %dma_wait3A_338 = tpu.memref_squeeze %dma_wait3A_337 : memref<1x128x128xf32, #tpu.memory_space<hbm>> -> memref<128x128xf32, #tpu.memory_space<hbm>>
      tpu.wait_dma2 semaphore(%arg21 : memref<!tpu.dma_semaphore, #tpu.memory_space<semaphore_mem>>) src(%arg9 : memref<128x128xf32, #tpu.memory_space<vmem>>) dst(%dma_wait3A_338 : memref<128x128xf32, #tpu.memory_space<hbm>>)
      %add3A_339 = arith.constant 4 : i32
      %add3A_340 = arith.addi %add3A_324, %add3A_339 : i32
      %dma_start3A_341 = arith.constant 0 : i32
      %dma_start3A_342 = tpu.memref_slice %arg5[%add3A_340, %dma_start3A_341] : memref<50x128xi32, #tpu.memory_space<vmem>> -> memref<1x128xi32, #tpu.memory_space<vmem>>
      %dma_start3A_343 = tpu.memref_squeeze %dma_start3A_342 : memref<1x128xi32, #tpu.memory_space<vmem>> -> memref<128xi32, #tpu.memory_space<vmem>>
      %dma_start3A_344 = arith.constant 0 : i32
      %dma_start3A_345 = arith.constant 0 : i32
      %dma_start3A_346 = tpu.memref_slice %arg2[%dma_start3A_344, %dma_start3A_345] : memref<100000x128xf32, #tpu.memory_space<hbm>> -> memref<100000x128xf32, #tpu.memory_space<hbm>>
      tpu.enqueue_indirect_dma source(%dma_start3A_346 : memref<100000x128xf32, #tpu.memory_space<hbm>>) target(%arg9 : memref<128x128xf32, #tpu.memory_space<vmem>>) offsets(%dma_start3A_343 : memref<128xi32, #tpu.memory_space<vmem>>) semaphore(%arg15 : memref<!tpu.dma_semaphore, #tpu.memory_space<semaphore_mem>>)
      %dma_start3A_347 = arith.constant 0 : i32
      %dma_start3A_348 = tpu.memref_slice %arg4[%add3A_324, %mul3A_2, %dma_start3A_347] : memref<50x4096x128xf32, #tpu.memory_space<hbm>> -> memref<1x128x128xf32, #tpu.memory_space<hbm>>
      %dma_start3A_349 = tpu.memref_squeeze %dma_start3A_348 : memref<1x128x128xf32, #tpu.memory_space<hbm>> -> memref<128x128xf32, #tpu.memory_space<hbm>>
      %dma_start3A_350 = arith.constant 0 : i32
      %dma_start3A_351 = tpu.memref_slice %arg4[%add3A_324, %mul3A_2, %dma_start3A_350] : memref<50x4096x128xf32, #tpu.memory_space<hbm>> -> memref<1x128x128xf32, #tpu.memory_space<hbm>>
      %dma_start3A_352 = tpu.memref_squeeze %dma_start3A_351 : memref<1x128x128xf32, #tpu.memory_space<hbm>> -> memref<128x128xf32, #tpu.memory_space<hbm>>
      tpu.enqueue_dma source(%arg11 : memref<128x128xf32, #tpu.memory_space<vmem>>) target(%dma_start3A_352 : memref<128x128xf32, #tpu.memory_space<hbm>>) target_semaphore(%arg23 : memref<!tpu.dma_semaphore, #tpu.memory_space<semaphore_mem>>)
      %add3A_353 = arith.constant 4 : i32
      %add3A_354 = arith.addi %add3A_233, %add3A_353 : i32
      %dma_wait3A_355 = arith.constant 0 : i32
      %dma_wait3A_356 = tpu.memref_slice %arg5[%add3A_354, %dma_wait3A_355] : memref<50x128xi32, #tpu.memory_space<vmem>> -> memref<1x128xi32, #tpu.memory_space<vmem>>
      %dma_wait3A_357 = tpu.memref_squeeze %dma_wait3A_356 : memref<1x128xi32, #tpu.memory_space<vmem>> -> memref<128xi32, #tpu.memory_space<vmem>>
      %dma_wait3A_358 = arith.constant 0 : i32
      %dma_wait3A_359 = arith.constant 0 : i32
      %dma_wait3A_360 = tpu.memref_slice %arg2[%dma_wait3A_358, %dma_wait3A_359] : memref<100000x128xf32, #tpu.memory_space<hbm>> -> memref<100000x128xf32, #tpu.memory_space<hbm>>
      tpu.wait_indirect_dma semaphore(%arg12 : memref<!tpu.dma_semaphore, #tpu.memory_space<semaphore_mem>>) src(%dma_wait3A_360 : memref<100000x128xf32, #tpu.memory_space<hbm>>) dst(%arg6 : memref<128x128xf32, #tpu.memory_space<vmem>>)
      %sub3A_361 = arith.constant 2 : i32
      %sub3A_362 = arith.subi %add3A_354, %sub3A_361 : i32
      %dma_wait3A_363 = arith.constant 0 : i32
      %dma_wait3A_364 = tpu.memref_slice %arg4[%sub3A_362, %mul3A_2, %dma_wait3A_363] : memref<50x4096x128xf32, #tpu.memory_space<hbm>> -> memref<1x128x128xf32, #tpu.memory_space<hbm>>
      %dma_wait3A_365 = tpu.memref_squeeze %dma_wait3A_364 : memref<1x128x128xf32, #tpu.memory_space<hbm>> -> memref<128x128xf32, #tpu.memory_space<hbm>>
      %dma_wait3A_366 = arith.constant 0 : i32
      %dma_wait3A_367 = tpu.memref_slice %arg4[%sub3A_362, %mul3A_2, %dma_wait3A_366] : memref<50x4096x128xf32, #tpu.memory_space<hbm>> -> memref<1x128x128xf32, #tpu.memory_space<hbm>>
      %dma_wait3A_368 = tpu.memref_squeeze %dma_wait3A_367 : memref<1x128x128xf32, #tpu.memory_space<hbm>> -> memref<128x128xf32, #tpu.memory_space<hbm>>
      tpu.wait_dma2 semaphore(%arg22 : memref<!tpu.dma_semaphore, #tpu.memory_space<semaphore_mem>>) src(%arg10 : memref<128x128xf32, #tpu.memory_space<vmem>>) dst(%dma_wait3A_368 : memref<128x128xf32, #tpu.memory_space<hbm>>)
      %add3A_369 = arith.constant 4 : i32
      %add3A_370 = arith.addi %add3A_354, %add3A_369 : i32
      %dma_start3A_371 = arith.constant 0 : i32
      %dma_start3A_372 = tpu.memref_slice %arg5[%add3A_370, %dma_start3A_371] : memref<50x128xi32, #tpu.memory_space<vmem>> -> memref<1x128xi32, #tpu.memory_space<vmem>>
      %dma_start3A_373 = tpu.memref_squeeze %dma_start3A_372 : memref<1x128xi32, #tpu.memory_space<vmem>> -> memref<128xi32, #tpu.memory_space<vmem>>
      %dma_start3A_374 = arith.constant 0 : i32
      %dma_start3A_375 = arith.constant 0 : i32
      %dma_start3A_376 = tpu.memref_slice %arg2[%dma_start3A_374, %dma_start3A_375] : memref<100000x128xf32, #tpu.memory_space<hbm>> -> memref<100000x128xf32, #tpu.memory_space<hbm>>
      tpu.enqueue_indirect_dma source(%dma_start3A_376 : memref<100000x128xf32, #tpu.memory_space<hbm>>) target(%arg10 : memref<128x128xf32, #tpu.memory_space<vmem>>) offsets(%dma_start3A_373 : memref<128xi32, #tpu.memory_space<vmem>>) semaphore(%arg16 : memref<!tpu.dma_semaphore, #tpu.memory_space<semaphore_mem>>)
      %dma_start3A_377 = arith.constant 0 : i32
      %dma_start3A_378 = tpu.memref_slice %arg4[%add3A_354, %mul3A_2, %dma_start3A_377] : memref<50x4096x128xf32, #tpu.memory_space<hbm>> -> memref<1x128x128xf32, #tpu.memory_space<hbm>>
      %dma_start3A_379 = tpu.memref_squeeze %dma_start3A_378 : memref<1x128x128xf32, #tpu.memory_space<hbm>> -> memref<128x128xf32, #tpu.memory_space<hbm>>
      %dma_start3A_380 = arith.constant 0 : i32
      %dma_start3A_381 = tpu.memref_slice %arg4[%add3A_354, %mul3A_2, %dma_start3A_380] : memref<50x4096x128xf32, #tpu.memory_space<hbm>> -> memref<1x128x128xf32, #tpu.memory_space<hbm>>
      %dma_start3A_382 = tpu.memref_squeeze %dma_start3A_381 : memref<1x128x128xf32, #tpu.memory_space<hbm>> -> memref<128x128xf32, #tpu.memory_space<hbm>>
      tpu.enqueue_dma source(%arg6 : memref<128x128xf32, #tpu.memory_space<vmem>>) target(%dma_start3A_382 : memref<128x128xf32, #tpu.memory_space<hbm>>) target_semaphore(%arg18 : memref<!tpu.dma_semaphore, #tpu.memory_space<semaphore_mem>>)
      %add3A_383 = arith.constant 5 : i32
      %add3A_384 = arith.addi %add3A_233, %add3A_383 : i32
      %dma_wait3A_385 = arith.constant 0 : i32
      %dma_wait3A_386 = tpu.memref_slice %arg5[%add3A_384, %dma_wait3A_385] : memref<50x128xi32, #tpu.memory_space<vmem>> -> memref<1x128xi32, #tpu.memory_space<vmem>>
      %dma_wait3A_387 = tpu.memref_squeeze %dma_wait3A_386 : memref<1x128xi32, #tpu.memory_space<vmem>> -> memref<128xi32, #tpu.memory_space<vmem>>
      %dma_wait3A_388 = arith.constant 0 : i32
      %dma_wait3A_389 = arith.constant 0 : i32
      %dma_wait3A_390 = tpu.memref_slice %arg2[%dma_wait3A_388, %dma_wait3A_389] : memref<100000x128xf32, #tpu.memory_space<hbm>> -> memref<100000x128xf32, #tpu.memory_space<hbm>>
      tpu.wait_indirect_dma semaphore(%arg13 : memref<!tpu.dma_semaphore, #tpu.memory_space<semaphore_mem>>) src(%dma_wait3A_390 : memref<100000x128xf32, #tpu.memory_space<hbm>>) dst(%arg7 : memref<128x128xf32, #tpu.memory_space<vmem>>)
      %sub3A_391 = arith.constant 2 : i32
      %sub3A_392 = arith.subi %add3A_384, %sub3A_391 : i32
      %dma_wait3A_393 = arith.constant 0 : i32
      %dma_wait3A_394 = tpu.memref_slice %arg4[%sub3A_392, %mul3A_2, %dma_wait3A_393] : memref<50x4096x128xf32, #tpu.memory_space<hbm>> -> memref<1x128x128xf32, #tpu.memory_space<hbm>>
      %dma_wait3A_395 = tpu.memref_squeeze %dma_wait3A_394 : memref<1x128x128xf32, #tpu.memory_space<hbm>> -> memref<128x128xf32, #tpu.memory_space<hbm>>
      %dma_wait3A_396 = arith.constant 0 : i32
      %dma_wait3A_397 = tpu.memref_slice %arg4[%sub3A_392, %mul3A_2, %dma_wait3A_396] : memref<50x4096x128xf32, #tpu.memory_space<hbm>> -> memref<1x128x128xf32, #tpu.memory_space<hbm>>
      %dma_wait3A_398 = tpu.memref_squeeze %dma_wait3A_397 : memref<1x128x128xf32, #tpu.memory_space<hbm>> -> memref<128x128xf32, #tpu.memory_space<hbm>>
      tpu.wait_dma2 semaphore(%arg23 : memref<!tpu.dma_semaphore, #tpu.memory_space<semaphore_mem>>) src(%arg11 : memref<128x128xf32, #tpu.memory_space<vmem>>) dst(%dma_wait3A_398 : memref<128x128xf32, #tpu.memory_space<hbm>>)
      %add3A_399 = arith.constant 4 : i32
      %add3A_400 = arith.addi %add3A_384, %add3A_399 : i32
      %dma_start3A_401 = arith.constant 0 : i32
      %dma_start3A_402 = tpu.memref_slice %arg5[%add3A_400, %dma_start3A_401] : memref<50x128xi32, #tpu.memory_space<vmem>> -> memref<1x128xi32, #tpu.memory_space<vmem>>
      %dma_start3A_403 = tpu.memref_squeeze %dma_start3A_402 : memref<1x128xi32, #tpu.memory_space<vmem>> -> memref<128xi32, #tpu.memory_space<vmem>>
      %dma_start3A_404 = arith.constant 0 : i32
      %dma_start3A_405 = arith.constant 0 : i32
      %dma_start3A_406 = tpu.memref_slice %arg2[%dma_start3A_404, %dma_start3A_405] : memref<100000x128xf32, #tpu.memory_space<hbm>> -> memref<100000x128xf32, #tpu.memory_space<hbm>>
      tpu.enqueue_indirect_dma source(%dma_start3A_406 : memref<100000x128xf32, #tpu.memory_space<hbm>>) target(%arg11 : memref<128x128xf32, #tpu.memory_space<vmem>>) offsets(%dma_start3A_403 : memref<128xi32, #tpu.memory_space<vmem>>) semaphore(%arg17 : memref<!tpu.dma_semaphore, #tpu.memory_space<semaphore_mem>>)
      %dma_start3A_407 = arith.constant 0 : i32
      %dma_start3A_408 = tpu.memref_slice %arg4[%add3A_384, %mul3A_2, %dma_start3A_407] : memref<50x4096x128xf32, #tpu.memory_space<hbm>> -> memref<1x128x128xf32, #tpu.memory_space<hbm>>
      %dma_start3A_409 = tpu.memref_squeeze %dma_start3A_408 : memref<1x128x128xf32, #tpu.memory_space<hbm>> -> memref<128x128xf32, #tpu.memory_space<hbm>>
      %dma_start3A_410 = arith.constant 0 : i32
      %dma_start3A_411 = tpu.memref_slice %arg4[%add3A_384, %mul3A_2, %dma_start3A_410] : memref<50x4096x128xf32, #tpu.memory_space<hbm>> -> memref<1x128x128xf32, #tpu.memory_space<hbm>>
      %dma_start3A_412 = tpu.memref_squeeze %dma_start3A_411 : memref<1x128x128xf32, #tpu.memory_space<hbm>> -> memref<128x128xf32, #tpu.memory_space<hbm>>
      tpu.enqueue_dma source(%arg7 : memref<128x128xf32, #tpu.memory_space<vmem>>) target(%dma_start3A_412 : memref<128x128xf32, #tpu.memory_space<hbm>>) target_semaphore(%arg19 : memref<!tpu.dma_semaphore, #tpu.memory_space<semaphore_mem>>)
    }
    %scan3A_74 = arith.constant 7 : i32
    %dma_wait3A_75 = arith.constant 44 : i32
    %dma_wait3A_76 = arith.constant 0 : i32
    %dma_wait3A_77 = tpu.memref_slice %arg5[%dma_wait3A_75, %dma_wait3A_76] : memref<50x128xi32, #tpu.memory_space<vmem>> -> memref<1x128xi32, #tpu.memory_space<vmem>>
    %dma_wait3A_78 = tpu.memref_squeeze %dma_wait3A_77 : memref<1x128xi32, #tpu.memory_space<vmem>> -> memref<128xi32, #tpu.memory_space<vmem>>
    %dma_wait3A_79 = arith.constant 0 : i32
    %dma_wait3A_80 = arith.constant 0 : i32
    %dma_wait3A_81 = tpu.memref_slice %arg2[%dma_wait3A_79, %dma_wait3A_80] : memref<100000x128xf32, #tpu.memory_space<hbm>> -> memref<100000x128xf32, #tpu.memory_space<hbm>>
    tpu.wait_indirect_dma semaphore(%arg14 : memref<!tpu.dma_semaphore, #tpu.memory_space<semaphore_mem>>) src(%dma_wait3A_81 : memref<100000x128xf32, #tpu.memory_space<hbm>>) dst(%arg8 : memref<128x128xf32, #tpu.memory_space<vmem>>)
    %dma_wait3A_82 = arith.constant 42 : i32
    %dma_wait3A_83 = arith.constant 0 : i32
    %dma_wait3A_84 = tpu.memref_slice %arg4[%dma_wait3A_82, %mul3A_2, %dma_wait3A_83] : memref<50x4096x128xf32, #tpu.memory_space<hbm>> -> memref<1x128x128xf32, #tpu.memory_space<hbm>>
    %dma_wait3A_85 = tpu.memref_squeeze %dma_wait3A_84 : memref<1x128x128xf32, #tpu.memory_space<hbm>> -> memref<128x128xf32, #tpu.memory_space<hbm>>
    %dma_wait3A_86 = arith.constant 0 : i32
    %dma_wait3A_87 = tpu.memref_slice %arg4[%dma_wait3A_82, %mul3A_2, %dma_wait3A_86] : memref<50x4096x128xf32, #tpu.memory_space<hbm>> -> memref<1x128x128xf32, #tpu.memory_space<hbm>>
    %dma_wait3A_88 = tpu.memref_squeeze %dma_wait3A_87 : memref<1x128x128xf32, #tpu.memory_space<hbm>> -> memref<128x128xf32, #tpu.memory_space<hbm>>
    tpu.wait_dma2 semaphore(%arg18 : memref<!tpu.dma_semaphore, #tpu.memory_space<semaphore_mem>>) src(%arg6 : memref<128x128xf32, #tpu.memory_space<vmem>>) dst(%dma_wait3A_88 : memref<128x128xf32, #tpu.memory_space<hbm>>)
    %dma_start3A_89 = arith.constant 48 : i32
    %dma_start3A_90 = arith.constant 0 : i32
    %dma_start3A_91 = tpu.memref_slice %arg5[%dma_start3A_89, %dma_start3A_90] : memref<50x128xi32, #tpu.memory_space<vmem>> -> memref<1x128xi32, #tpu.memory_space<vmem>>
    %dma_start3A_92 = tpu.memref_squeeze %dma_start3A_91 : memref<1x128xi32, #tpu.memory_space<vmem>> -> memref<128xi32, #tpu.memory_space<vmem>>
    %dma_start3A_93 = arith.constant 0 : i32
    %dma_start3A_94 = arith.constant 0 : i32
    %dma_start3A_95 = tpu.memref_slice %arg2[%dma_start3A_93, %dma_start3A_94] : memref<100000x128xf32, #tpu.memory_space<hbm>> -> memref<100000x128xf32, #tpu.memory_space<hbm>>
    tpu.enqueue_indirect_dma source(%dma_start3A_95 : memref<100000x128xf32, #tpu.memory_space<hbm>>) target(%arg6 : memref<128x128xf32, #tpu.memory_space<vmem>>) offsets(%dma_start3A_92 : memref<128xi32, #tpu.memory_space<vmem>>) semaphore(%arg12 : memref<!tpu.dma_semaphore, #tpu.memory_space<semaphore_mem>>)
    %dma_start3A_96 = arith.constant 44 : i32
    %dma_start3A_97 = arith.constant 0 : i32
    %dma_start3A_98 = tpu.memref_slice %arg4[%dma_start3A_96, %mul3A_2, %dma_start3A_97] : memref<50x4096x128xf32, #tpu.memory_space<hbm>> -> memref<1x128x128xf32, #tpu.memory_space<hbm>>
    %dma_start3A_99 = tpu.memref_squeeze %dma_start3A_98 : memref<1x128x128xf32, #tpu.memory_space<hbm>> -> memref<128x128xf32, #tpu.memory_space<hbm>>
    %dma_start3A_100 = arith.constant 0 : i32
    %dma_start3A_101 = tpu.memref_slice %arg4[%dma_start3A_96, %mul3A_2, %dma_start3A_100] : memref<50x4096x128xf32, #tpu.memory_space<hbm>> -> memref<1x128x128xf32, #tpu.memory_space<hbm>>
    %dma_start3A_102 = tpu.memref_squeeze %dma_start3A_101 : memref<1x128x128xf32, #tpu.memory_space<hbm>> -> memref<128x128xf32, #tpu.memory_space<hbm>>
    tpu.enqueue_dma source(%arg8 : memref<128x128xf32, #tpu.memory_space<vmem>>) target(%dma_start3A_102 : memref<128x128xf32, #tpu.memory_space<hbm>>) target_semaphore(%arg20 : memref<!tpu.dma_semaphore, #tpu.memory_space<semaphore_mem>>)
    %dma_wait3A_103 = arith.constant 45 : i32
    %dma_wait3A_104 = arith.constant 0 : i32
    %dma_wait3A_105 = tpu.memref_slice %arg5[%dma_wait3A_103, %dma_wait3A_104] : memref<50x128xi32, #tpu.memory_space<vmem>> -> memref<1x128xi32, #tpu.memory_space<vmem>>
    %dma_wait3A_106 = tpu.memref_squeeze %dma_wait3A_105 : memref<1x128xi32, #tpu.memory_space<vmem>> -> memref<128xi32, #tpu.memory_space<vmem>>
    %dma_wait3A_107 = arith.constant 0 : i32
    %dma_wait3A_108 = arith.constant 0 : i32
    %dma_wait3A_109 = tpu.memref_slice %arg2[%dma_wait3A_107, %dma_wait3A_108] : memref<100000x128xf32, #tpu.memory_space<hbm>> -> memref<100000x128xf32, #tpu.memory_space<hbm>>
    tpu.wait_indirect_dma semaphore(%arg15 : memref<!tpu.dma_semaphore, #tpu.memory_space<semaphore_mem>>) src(%dma_wait3A_109 : memref<100000x128xf32, #tpu.memory_space<hbm>>) dst(%arg9 : memref<128x128xf32, #tpu.memory_space<vmem>>)
    %dma_wait3A_110 = arith.constant 43 : i32
    %dma_wait3A_111 = arith.constant 0 : i32
    %dma_wait3A_112 = tpu.memref_slice %arg4[%dma_wait3A_110, %mul3A_2, %dma_wait3A_111] : memref<50x4096x128xf32, #tpu.memory_space<hbm>> -> memref<1x128x128xf32, #tpu.memory_space<hbm>>
    %dma_wait3A_113 = tpu.memref_squeeze %dma_wait3A_112 : memref<1x128x128xf32, #tpu.memory_space<hbm>> -> memref<128x128xf32, #tpu.memory_space<hbm>>
    %dma_wait3A_114 = arith.constant 0 : i32
    %dma_wait3A_115 = tpu.memref_slice %arg4[%dma_wait3A_110, %mul3A_2, %dma_wait3A_114] : memref<50x4096x128xf32, #tpu.memory_space<hbm>> -> memref<1x128x128xf32, #tpu.memory_space<hbm>>
    %dma_wait3A_116 = tpu.memref_squeeze %dma_wait3A_115 : memref<1x128x128xf32, #tpu.memory_space<hbm>> -> memref<128x128xf32, #tpu.memory_space<hbm>>
    tpu.wait_dma2 semaphore(%arg19 : memref<!tpu.dma_semaphore, #tpu.memory_space<semaphore_mem>>) src(%arg7 : memref<128x128xf32, #tpu.memory_space<vmem>>) dst(%dma_wait3A_116 : memref<128x128xf32, #tpu.memory_space<hbm>>)
    %dma_start3A_117 = arith.constant 49 : i32
    %dma_start3A_118 = arith.constant 0 : i32
    %dma_start3A_119 = tpu.memref_slice %arg5[%dma_start3A_117, %dma_start3A_118] : memref<50x128xi32, #tpu.memory_space<vmem>> -> memref<1x128xi32, #tpu.memory_space<vmem>>
    %dma_start3A_120 = tpu.memref_squeeze %dma_start3A_119 : memref<1x128xi32, #tpu.memory_space<vmem>> -> memref<128xi32, #tpu.memory_space<vmem>>
    %dma_start3A_121 = arith.constant 0 : i32
    %dma_start3A_122 = arith.constant 0 : i32
    %dma_start3A_123 = tpu.memref_slice %arg2[%dma_start3A_121, %dma_start3A_122] : memref<100000x128xf32, #tpu.memory_space<hbm>> -> memref<100000x128xf32, #tpu.memory_space<hbm>>
    tpu.enqueue_indirect_dma source(%dma_start3A_123 : memref<100000x128xf32, #tpu.memory_space<hbm>>) target(%arg7 : memref<128x128xf32, #tpu.memory_space<vmem>>) offsets(%dma_start3A_120 : memref<128xi32, #tpu.memory_space<vmem>>) semaphore(%arg13 : memref<!tpu.dma_semaphore, #tpu.memory_space<semaphore_mem>>)
    %dma_start3A_124 = arith.constant 45 : i32
    %dma_start3A_125 = arith.constant 0 : i32
    %dma_start3A_126 = tpu.memref_slice %arg4[%dma_start3A_124, %mul3A_2, %dma_start3A_125] : memref<50x4096x128xf32, #tpu.memory_space<hbm>> -> memref<1x128x128xf32, #tpu.memory_space<hbm>>
    %dma_start3A_127 = tpu.memref_squeeze %dma_start3A_126 : memref<1x128x128xf32, #tpu.memory_space<hbm>> -> memref<128x128xf32, #tpu.memory_space<hbm>>
    %dma_start3A_128 = arith.constant 0 : i32
    %dma_start3A_129 = tpu.memref_slice %arg4[%dma_start3A_124, %mul3A_2, %dma_start3A_128] : memref<50x4096x128xf32, #tpu.memory_space<hbm>> -> memref<1x128x128xf32, #tpu.memory_space<hbm>>
    %dma_start3A_130 = tpu.memref_squeeze %dma_start3A_129 : memref<1x128x128xf32, #tpu.memory_space<hbm>> -> memref<128x128xf32, #tpu.memory_space<hbm>>
    tpu.enqueue_dma source(%arg9 : memref<128x128xf32, #tpu.memory_space<vmem>>) target(%dma_start3A_130 : memref<128x128xf32, #tpu.memory_space<hbm>>) target_semaphore(%arg21 : memref<!tpu.dma_semaphore, #tpu.memory_space<semaphore_mem>>)
    %dma_wait3A_131 = arith.constant 46 : i32
    %dma_wait3A_132 = arith.constant 0 : i32
    %dma_wait3A_133 = tpu.memref_slice %arg5[%dma_wait3A_131, %dma_wait3A_132] : memref<50x128xi32, #tpu.memory_space<vmem>> -> memref<1x128xi32, #tpu.memory_space<vmem>>
    %dma_wait3A_134 = tpu.memref_squeeze %dma_wait3A_133 : memref<1x128xi32, #tpu.memory_space<vmem>> -> memref<128xi32, #tpu.memory_space<vmem>>
    %dma_wait3A_135 = arith.constant 0 : i32
    %dma_wait3A_136 = arith.constant 0 : i32
    %dma_wait3A_137 = tpu.memref_slice %arg2[%dma_wait3A_135, %dma_wait3A_136] : memref<100000x128xf32, #tpu.memory_space<hbm>> -> memref<100000x128xf32, #tpu.memory_space<hbm>>
    tpu.wait_indirect_dma semaphore(%arg16 : memref<!tpu.dma_semaphore, #tpu.memory_space<semaphore_mem>>) src(%dma_wait3A_137 : memref<100000x128xf32, #tpu.memory_space<hbm>>) dst(%arg10 : memref<128x128xf32, #tpu.memory_space<vmem>>)
    %dma_wait3A_138 = arith.constant 44 : i32
    %dma_wait3A_139 = arith.constant 0 : i32
    %dma_wait3A_140 = tpu.memref_slice %arg4[%dma_wait3A_138, %mul3A_2, %dma_wait3A_139] : memref<50x4096x128xf32, #tpu.memory_space<hbm>> -> memref<1x128x128xf32, #tpu.memory_space<hbm>>
    %dma_wait3A_141 = tpu.memref_squeeze %dma_wait3A_140 : memref<1x128x128xf32, #tpu.memory_space<hbm>> -> memref<128x128xf32, #tpu.memory_space<hbm>>
    %dma_wait3A_142 = arith.constant 0 : i32
    %dma_wait3A_143 = tpu.memref_slice %arg4[%dma_wait3A_138, %mul3A_2, %dma_wait3A_142] : memref<50x4096x128xf32, #tpu.memory_space<hbm>> -> memref<1x128x128xf32, #tpu.memory_space<hbm>>
    %dma_wait3A_144 = tpu.memref_squeeze %dma_wait3A_143 : memref<1x128x128xf32, #tpu.memory_space<hbm>> -> memref<128x128xf32, #tpu.memory_space<hbm>>
    tpu.wait_dma2 semaphore(%arg20 : memref<!tpu.dma_semaphore, #tpu.memory_space<semaphore_mem>>) src(%arg8 : memref<128x128xf32, #tpu.memory_space<vmem>>) dst(%dma_wait3A_144 : memref<128x128xf32, #tpu.memory_space<hbm>>)
    %dma_start3A_145 = arith.constant 46 : i32
    %dma_start3A_146 = arith.constant 0 : i32
    %dma_start3A_147 = tpu.memref_slice %arg4[%dma_start3A_145, %mul3A_2, %dma_start3A_146] : memref<50x4096x128xf32, #tpu.memory_space<hbm>> -> memref<1x128x128xf32, #tpu.memory_space<hbm>>
    %dma_start3A_148 = tpu.memref_squeeze %dma_start3A_147 : memref<1x128x128xf32, #tpu.memory_space<hbm>> -> memref<128x128xf32, #tpu.memory_space<hbm>>
    %dma_start3A_149 = arith.constant 0 : i32
    %dma_start3A_150 = tpu.memref_slice %arg4[%dma_start3A_145, %mul3A_2, %dma_start3A_149] : memref<50x4096x128xf32, #tpu.memory_space<hbm>> -> memref<1x128x128xf32, #tpu.memory_space<hbm>>
    %dma_start3A_151 = tpu.memref_squeeze %dma_start3A_150 : memref<1x128x128xf32, #tpu.memory_space<hbm>> -> memref<128x128xf32, #tpu.memory_space<hbm>>
    tpu.enqueue_dma source(%arg10 : memref<128x128xf32, #tpu.memory_space<vmem>>) target(%dma_start3A_151 : memref<128x128xf32, #tpu.memory_space<hbm>>) target_semaphore(%arg22 : memref<!tpu.dma_semaphore, #tpu.memory_space<semaphore_mem>>)
    %dma_wait3A_152 = arith.constant 47 : i32
    %dma_wait3A_153 = arith.constant 0 : i32
    %dma_wait3A_154 = tpu.memref_slice %arg5[%dma_wait3A_152, %dma_wait3A_153] : memref<50x128xi32, #tpu.memory_space<vmem>> -> memref<1x128xi32, #tpu.memory_space<vmem>>
    %dma_wait3A_155 = tpu.memref_squeeze %dma_wait3A_154 : memref<1x128xi32, #tpu.memory_space<vmem>> -> memref<128xi32, #tpu.memory_space<vmem>>
    %dma_wait3A_156 = arith.constant 0 : i32
    %dma_wait3A_157 = arith.constant 0 : i32
    %dma_wait3A_158 = tpu.memref_slice %arg2[%dma_wait3A_156, %dma_wait3A_157] : memref<100000x128xf32, #tpu.memory_space<hbm>> -> memref<100000x128xf32, #tpu.memory_space<hbm>>
    tpu.wait_indirect_dma semaphore(%arg17 : memref<!tpu.dma_semaphore, #tpu.memory_space<semaphore_mem>>) src(%dma_wait3A_158 : memref<100000x128xf32, #tpu.memory_space<hbm>>) dst(%arg11 : memref<128x128xf32, #tpu.memory_space<vmem>>)
    %dma_wait3A_159 = arith.constant 45 : i32
    %dma_wait3A_160 = arith.constant 0 : i32
    %dma_wait3A_161 = tpu.memref_slice %arg4[%dma_wait3A_159, %mul3A_2, %dma_wait3A_160] : memref<50x4096x128xf32, #tpu.memory_space<hbm>> -> memref<1x128x128xf32, #tpu.memory_space<hbm>>
    %dma_wait3A_162 = tpu.memref_squeeze %dma_wait3A_161 : memref<1x128x128xf32, #tpu.memory_space<hbm>> -> memref<128x128xf32, #tpu.memory_space<hbm>>
    %dma_wait3A_163 = arith.constant 0 : i32
    %dma_wait3A_164 = tpu.memref_slice %arg4[%dma_wait3A_159, %mul3A_2, %dma_wait3A_163] : memref<50x4096x128xf32, #tpu.memory_space<hbm>> -> memref<1x128x128xf32, #tpu.memory_space<hbm>>
    %dma_wait3A_165 = tpu.memref_squeeze %dma_wait3A_164 : memref<1x128x128xf32, #tpu.memory_space<hbm>> -> memref<128x128xf32, #tpu.memory_space<hbm>>
    tpu.wait_dma2 semaphore(%arg21 : memref<!tpu.dma_semaphore, #tpu.memory_space<semaphore_mem>>) src(%arg9 : memref<128x128xf32, #tpu.memory_space<vmem>>) dst(%dma_wait3A_165 : memref<128x128xf32, #tpu.memory_space<hbm>>)
    %dma_start3A_166 = arith.constant 47 : i32
    %dma_start3A_167 = arith.constant 0 : i32
    %dma_start3A_168 = tpu.memref_slice %arg4[%dma_start3A_166, %mul3A_2, %dma_start3A_167] : memref<50x4096x128xf32, #tpu.memory_space<hbm>> -> memref<1x128x128xf32, #tpu.memory_space<hbm>>
    %dma_start3A_169 = tpu.memref_squeeze %dma_start3A_168 : memref<1x128x128xf32, #tpu.memory_space<hbm>> -> memref<128x128xf32, #tpu.memory_space<hbm>>
    %dma_start3A_170 = arith.constant 0 : i32
    %dma_start3A_171 = tpu.memref_slice %arg4[%dma_start3A_166, %mul3A_2, %dma_start3A_170] : memref<50x4096x128xf32, #tpu.memory_space<hbm>> -> memref<1x128x128xf32, #tpu.memory_space<hbm>>
    %dma_start3A_172 = tpu.memref_squeeze %dma_start3A_171 : memref<1x128x128xf32, #tpu.memory_space<hbm>> -> memref<128x128xf32, #tpu.memory_space<hbm>>
    tpu.enqueue_dma source(%arg11 : memref<128x128xf32, #tpu.memory_space<vmem>>) target(%dma_start3A_172 : memref<128x128xf32, #tpu.memory_space<hbm>>) target_semaphore(%arg23 : memref<!tpu.dma_semaphore, #tpu.memory_space<semaphore_mem>>)
    %dma_wait3A_173 = arith.constant 48 : i32
    %dma_wait3A_174 = arith.constant 0 : i32
    %dma_wait3A_175 = tpu.memref_slice %arg5[%dma_wait3A_173, %dma_wait3A_174] : memref<50x128xi32, #tpu.memory_space<vmem>> -> memref<1x128xi32, #tpu.memory_space<vmem>>
    %dma_wait3A_176 = tpu.memref_squeeze %dma_wait3A_175 : memref<1x128xi32, #tpu.memory_space<vmem>> -> memref<128xi32, #tpu.memory_space<vmem>>
    %dma_wait3A_177 = arith.constant 0 : i32
    %dma_wait3A_178 = arith.constant 0 : i32
    %dma_wait3A_179 = tpu.memref_slice %arg2[%dma_wait3A_177, %dma_wait3A_178] : memref<100000x128xf32, #tpu.memory_space<hbm>> -> memref<100000x128xf32, #tpu.memory_space<hbm>>
    tpu.wait_indirect_dma semaphore(%arg12 : memref<!tpu.dma_semaphore, #tpu.memory_space<semaphore_mem>>) src(%dma_wait3A_179 : memref<100000x128xf32, #tpu.memory_space<hbm>>) dst(%arg6 : memref<128x128xf32, #tpu.memory_space<vmem>>)
    %dma_wait3A_180 = arith.constant 46 : i32
    %dma_wait3A_181 = arith.constant 0 : i32
    %dma_wait3A_182 = tpu.memref_slice %arg4[%dma_wait3A_180, %mul3A_2, %dma_wait3A_181] : memref<50x4096x128xf32, #tpu.memory_space<hbm>> -> memref<1x128x128xf32, #tpu.memory_space<hbm>>
    %dma_wait3A_183 = tpu.memref_squeeze %dma_wait3A_182 : memref<1x128x128xf32, #tpu.memory_space<hbm>> -> memref<128x128xf32, #tpu.memory_space<hbm>>
    %dma_wait3A_184 = arith.constant 0 : i32
    %dma_wait3A_185 = tpu.memref_slice %arg4[%dma_wait3A_180, %mul3A_2, %dma_wait3A_184] : memref<50x4096x128xf32, #tpu.memory_space<hbm>> -> memref<1x128x128xf32, #tpu.memory_space<hbm>>
    %dma_wait3A_186 = tpu.memref_squeeze %dma_wait3A_185 : memref<1x128x128xf32, #tpu.memory_space<hbm>> -> memref<128x128xf32, #tpu.memory_space<hbm>>
    tpu.wait_dma2 semaphore(%arg22 : memref<!tpu.dma_semaphore, #tpu.memory_space<semaphore_mem>>) src(%arg10 : memref<128x128xf32, #tpu.memory_space<vmem>>) dst(%dma_wait3A_186 : memref<128x128xf32, #tpu.memory_space<hbm>>)
    %dma_start3A_187 = arith.constant 48 : i32
    %dma_start3A_188 = arith.constant 0 : i32
    %dma_start3A_189 = tpu.memref_slice %arg4[%dma_start3A_187, %mul3A_2, %dma_start3A_188] : memref<50x4096x128xf32, #tpu.memory_space<hbm>> -> memref<1x128x128xf32, #tpu.memory_space<hbm>>
    %dma_start3A_190 = tpu.memref_squeeze %dma_start3A_189 : memref<1x128x128xf32, #tpu.memory_space<hbm>> -> memref<128x128xf32, #tpu.memory_space<hbm>>
    %dma_start3A_191 = arith.constant 0 : i32
    %dma_start3A_192 = tpu.memref_slice %arg4[%dma_start3A_187, %mul3A_2, %dma_start3A_191] : memref<50x4096x128xf32, #tpu.memory_space<hbm>> -> memref<1x128x128xf32, #tpu.memory_space<hbm>>
    %dma_start3A_193 = tpu.memref_squeeze %dma_start3A_192 : memref<1x128x128xf32, #tpu.memory_space<hbm>> -> memref<128x128xf32, #tpu.memory_space<hbm>>
    tpu.enqueue_dma source(%arg6 : memref<128x128xf32, #tpu.memory_space<vmem>>) target(%dma_start3A_193 : memref<128x128xf32, #tpu.memory_space<hbm>>) target_semaphore(%arg18 : memref<!tpu.dma_semaphore, #tpu.memory_space<semaphore_mem>>)
    %dma_wait3A_194 = arith.constant 49 : i32
    %dma_wait3A_195 = arith.constant 0 : i32
    %dma_wait3A_196 = tpu.memref_slice %arg5[%dma_wait3A_194, %dma_wait3A_195] : memref<50x128xi32, #tpu.memory_space<vmem>> -> memref<1x128xi32, #tpu.memory_space<vmem>>
    %dma_wait3A_197 = tpu.memref_squeeze %dma_wait3A_196 : memref<1x128xi32, #tpu.memory_space<vmem>> -> memref<128xi32, #tpu.memory_space<vmem>>
    %dma_wait3A_198 = arith.constant 0 : i32
    %dma_wait3A_199 = arith.constant 0 : i32
    %dma_wait3A_200 = tpu.memref_slice %arg2[%dma_wait3A_198, %dma_wait3A_199] : memref<100000x128xf32, #tpu.memory_space<hbm>> -> memref<100000x128xf32, #tpu.memory_space<hbm>>
    tpu.wait_indirect_dma semaphore(%arg13 : memref<!tpu.dma_semaphore, #tpu.memory_space<semaphore_mem>>) src(%dma_wait3A_200 : memref<100000x128xf32, #tpu.memory_space<hbm>>) dst(%arg7 : memref<128x128xf32, #tpu.memory_space<vmem>>)
    %dma_wait3A_201 = arith.constant 47 : i32
    %dma_wait3A_202 = arith.constant 0 : i32
    %dma_wait3A_203 = tpu.memref_slice %arg4[%dma_wait3A_201, %mul3A_2, %dma_wait3A_202] : memref<50x4096x128xf32, #tpu.memory_space<hbm>> -> memref<1x128x128xf32, #tpu.memory_space<hbm>>
    %dma_wait3A_204 = tpu.memref_squeeze %dma_wait3A_203 : memref<1x128x128xf32, #tpu.memory_space<hbm>> -> memref<128x128xf32, #tpu.memory_space<hbm>>
    %dma_wait3A_205 = arith.constant 0 : i32
    %dma_wait3A_206 = tpu.memref_slice %arg4[%dma_wait3A_201, %mul3A_2, %dma_wait3A_205] : memref<50x4096x128xf32, #tpu.memory_space<hbm>> -> memref<1x128x128xf32, #tpu.memory_space<hbm>>
    %dma_wait3A_207 = tpu.memref_squeeze %dma_wait3A_206 : memref<1x128x128xf32, #tpu.memory_space<hbm>> -> memref<128x128xf32, #tpu.memory_space<hbm>>
    tpu.wait_dma2 semaphore(%arg23 : memref<!tpu.dma_semaphore, #tpu.memory_space<semaphore_mem>>) src(%arg11 : memref<128x128xf32, #tpu.memory_space<vmem>>) dst(%dma_wait3A_207 : memref<128x128xf32, #tpu.memory_space<hbm>>)
    %dma_start3A_208 = arith.constant 49 : i32
    %dma_start3A_209 = arith.constant 0 : i32
    %dma_start3A_210 = tpu.memref_slice %arg4[%dma_start3A_208, %mul3A_2, %dma_start3A_209] : memref<50x4096x128xf32, #tpu.memory_space<hbm>> -> memref<1x128x128xf32, #tpu.memory_space<hbm>>
    %dma_start3A_211 = tpu.memref_squeeze %dma_start3A_210 : memref<1x128x128xf32, #tpu.memory_space<hbm>> -> memref<128x128xf32, #tpu.memory_space<hbm>>
    %dma_start3A_212 = arith.constant 0 : i32
    %dma_start3A_213 = tpu.memref_slice %arg4[%dma_start3A_208, %mul3A_2, %dma_start3A_212] : memref<50x4096x128xf32, #tpu.memory_space<hbm>> -> memref<1x128x128xf32, #tpu.memory_space<hbm>>
    %dma_start3A_214 = tpu.memref_squeeze %dma_start3A_213 : memref<1x128x128xf32, #tpu.memory_space<hbm>> -> memref<128x128xf32, #tpu.memory_space<hbm>>
    tpu.enqueue_dma source(%arg7 : memref<128x128xf32, #tpu.memory_space<vmem>>) target(%dma_start3A_214 : memref<128x128xf32, #tpu.memory_space<hbm>>) target_semaphore(%arg19 : memref<!tpu.dma_semaphore, #tpu.memory_space<semaphore_mem>>)
    %dma_wait3A_215 = arith.constant 48 : i32
    %dma_wait3A_216 = arith.constant 0 : i32
    %dma_wait3A_217 = tpu.memref_slice %arg4[%dma_wait3A_215, %mul3A_2, %dma_wait3A_216] : memref<50x4096x128xf32, #tpu.memory_space<hbm>> -> memref<1x128x128xf32, #tpu.memory_space<hbm>>
    %dma_wait3A_218 = tpu.memref_squeeze %dma_wait3A_217 : memref<1x128x128xf32, #tpu.memory_space<hbm>> -> memref<128x128xf32, #tpu.memory_space<hbm>>
    %dma_wait3A_219 = arith.constant 0 : i32
    %dma_wait3A_220 = tpu.memref_slice %arg4[%dma_wait3A_215, %mul3A_2, %dma_wait3A_219] : memref<50x4096x128xf32, #tpu.memory_space<hbm>> -> memref<1x128x128xf32, #tpu.memory_space<hbm>>
    %dma_wait3A_221 = tpu.memref_squeeze %dma_wait3A_220 : memref<1x128x128xf32, #tpu.memory_space<hbm>> -> memref<128x128xf32, #tpu.memory_space<hbm>>
    tpu.wait_dma2 semaphore(%arg18 : memref<!tpu.dma_semaphore, #tpu.memory_space<semaphore_mem>>) src(%arg6 : memref<128x128xf32, #tpu.memory_space<vmem>>) dst(%dma_wait3A_221 : memref<128x128xf32, #tpu.memory_space<hbm>>)
    %dma_wait3A_222 = arith.constant 49 : i32
    %dma_wait3A_223 = arith.constant 0 : i32
    %dma_wait3A_224 = tpu.memref_slice %arg4[%dma_wait3A_222, %mul3A_2, %dma_wait3A_223] : memref<50x4096x128xf32, #tpu.memory_space<hbm>> -> memref<1x128x128xf32, #tpu.memory_space<hbm>>
    %dma_wait3A_225 = tpu.memref_squeeze %dma_wait3A_224 : memref<1x128x128xf32, #tpu.memory_space<hbm>> -> memref<128x128xf32, #tpu.memory_space<hbm>>
    %dma_wait3A_226 = arith.constant 0 : i32
    %dma_wait3A_227 = tpu.memref_slice %arg4[%dma_wait3A_222, %mul3A_2, %dma_wait3A_226] : memref<50x4096x128xf32, #tpu.memory_space<hbm>> -> memref<1x128x128xf32, #tpu.memory_space<hbm>>
    %dma_wait3A_228 = tpu.memref_squeeze %dma_wait3A_227 : memref<1x128x128xf32, #tpu.memory_space<hbm>> -> memref<128x128xf32, #tpu.memory_space<hbm>>
    tpu.wait_dma2 semaphore(%arg19 : memref<!tpu.dma_semaphore, #tpu.memory_space<semaphore_mem>>) src(%arg7 : memref<128x128xf32, #tpu.memory_space<vmem>>) dst(%dma_wait3A_228 : memref<128x128xf32, #tpu.memory_space<hbm>>)
    return
  }
}

</mosaic_0001>

<sc_bundles>
// kernel: kernel.3.cloned.1.call-start
scs
__scs_entry_jumppad:
0x0: {  	(pc) =	sbr.rel $0x88, $3  }
0x1: {  	(tag) =	ssettag $0x0;
	lr =	simm.s32 $0x1  }
0x2: {  	[smem:$0x3F9F] =	sst lr;
	_ =	strace $0xD0000000  }
0x3: {  	_ = 	snop  }
0x4: {  	_ = 	snop  }
0x5: {  	_ = 	snop  }
0x6: {  	_ = 	snop  }
0x7: {  	_ = 	snop  }
__scs_overlays_trampoline_lowered:
0x8: {  	[smem:$0x3FAE] =	sst s0  }
0x9: {  	[smem:$0x3FAF] =	sst s1  }
0xa: {  	[smem:$0x3FB0] =	sst s2  }
0xb: {  	[smem:$0x3FB1] =	sst s3  }
0xc: {  	[smem:$0x3FB2] =	sst s4  }
0xd: {  	[smem:$0x3FB3] =	sst s5  }
0xe: {  	[smem:$0x3FB4] =	sst s6  }
0xf: {  	[smem:$0x3FB5] =	sst s7  }
0x10: {  	[smem:$0x3FB6] =	sst s8  }
0x11: {  	[smem:$0x3FB7] =	sst s9;
	s0 =	simm.s32 @!p0 $0x0  }
0x12: {  	s1 =	sld [smem:$0x3F9D];
	s0 =	simm.s32 @p0 $0x1  }
0x13: {  	[smem:$0x3FB8] =	sst s0;
	s0 =	simm.s32 @!p1 $0x0  }
0x14: {  	s2 =	sld [smem:$0x3F9C];
	s0 =	simm.s32 @p1 $0x1  }
0x15: {  	[smem:$0x3FB9] =	sst s0;
	s0 =	simm.s32 @!p2 $0x0  }
0x16: {  	s3 =	sld [smem:$0x3FDB];
	s0 =	simm.s32 @p2 $0x1  }
0x17: {  	s4 =	simm.s32 $0x1BF5;
	[smem:$0x3FBB] =	sst s0  }
0x18: {  	s0 =	sld [smem:$0x3F9E];
	_ =	swait.ge [sflag:s4], $0x0  }
0x19: {  	s7 =	sld [smem:$0x3F9F]  }
0x1a: {  	s8 =	sadd.s32 $0xFFFFE003, lr  }
0x1b: {  	s9 =	sadd.s32 $0xFFFFFEF7, lr;
	s5 =	simm.s32 $0xFFFFFFFF;
	p2 =	slt.u32 s8, $0xFFFFF086  }
0x1c: {  	p1 =	slt.u32 s9, $0xF7A;
	s5 =	simm.s32 @!p2 $0x0  }
0x1d: {  	s5 =	simm.s32 @p1 $0x1;
	p0 =	seq.s32 s7, s2  }
0x1e: {  	s7 =	smul.u32 @!p0 $0xF7A, s2;
	p2 =	seq.s32 @!p0 s5, $0x0  }
0x1f: {  	s9 =	smul.u32 $0xF7A, s1;
	s8 =	simm.s32 @!p0 $0x1BF5;
	p2 =	por !p2, p0  }
0x20: {  	[sflag:s8] =	ssyncset.s32 @!p0 $0xFFFFF086;
	s6 =	sadd.s32 @!p0 s3, s7;
	s7 =	simm.s32 @!p0 $0x108  }
0x21: {  	s3 =	sadd.s32 s3, s9;
	s6 =	sadd.s32 @!p0 $0x88, s6;
	s7 =	simm.s32 @p2 $0x1082  }
0x22: {  	[simem:s7], [sflag:s8] =	dma.local @!p0 [hbm:s6], $0xF7A  }
0x23: {  	s9 =	sor.u32 $0xD0000000, s2;
	s6 =	simm.s32 $0x108;
	_ =	swait.ge @!p0 [sflag:s8], $0x0  }
0x24: {  	s3 =	sadd.s32 $0x88, s3;
	s6 =	simm.s32 @!p1 $0x1082;
	[sflag:s4] =	ssyncset.s32 $0xFFFFF086  }
0x25: {  	[simem:s6], [sflag:s4] =	dma.local [hbm:s3], $0xF7A  }
0x26: {  	[smem:$0x3F9F] =	sst s1;
	(tag) =	ssettag s2;
	_ =	strace s9  }
0x27: {  	s1 =	sld [smem:$0x3FAF]  }
0x28: {  	s2 =	sld [smem:$0x3FB0]  }
0x29: {  	s4 =	sld [smem:$0x3FB2]  }
0x2a: {  	p0 =	seq.s32 s5, $0x0;
	s5 =	sld [smem:$0x3FB3]  }
0x2b: {  	s6 =	sld [smem:$0x3FB4]  }
0x2c: {  	s7 =	sld [smem:$0x3FB5]  }
0x2d: {  	s3 =	simm.s32 $0x108;
	s8 =	sld [smem:$0x3FB6]  }
0x2e: {  	s3 =	simm.s32 @!p0 $0x1082;
	s9 =	sld [smem:$0x3FB7]  }
0x2f: {  	lr =	sadd.s32 s0, s3;
	s0 =	sld [smem:$0x3FAE]  }
0x30: {  	s3 =	sld [smem:$0x3FB1]  }
0x31: {  	[smem:$0x3FBA] =	sst s10  }
0x32: {  	s10 =	sld [smem:$0x3FB8];
	_ =	sdelay $0x3  }
0x33: {  	p0 =	seq.s32 s10, $0x1;
	s10 =	sld [smem:$0x3FBA];
	_ =	sdelay $0x3  }
0x34: {  	[smem:$0x3FBA] =	sst s10  }
0x35: {  	s10 =	sld [smem:$0x3FB9];
	_ =	sdelay $0x3  }
0x36: {  	p1 =	seq.s32 s10, $0x1;
	s10 =	sld [smem:$0x3FBA];
	_ =	sdelay $0x3  }
0x37: {  	[smem:$0x3FBA] =	sst s10  }
0x38: {  	s10 =	sld [smem:$0x3FBB]  }
0x39: {  	_ = 	snop;
	(pc) =	sbr.ind lr, $3  }
0x3a: {  	_ = 	snop  }
0x3b: {  	_ = 	snop  }
0x3c: {  	p2 =	seq.s32 s10, $0x1;
	s10 =	sld [smem:$0x3FBA]  }
0x3d: {  	_ =	shalt  }
0x3e: {  	_ =	shalt  }
0x3f: {  	_ =	shalt  }
0x40: {  	_ =	shalt  }
0x41: {  	_ =	shalt  }
0x42: {  	_ =	shalt  }
0x43: {  	_ =	shalt  }
0x44: {  	_ =	shalt  }
0x45: {  	_ =	shalt  }
0x46: {  	_ =	shalt  }
0x47: {  	_ =	shalt  }
0x48: {  	_ =	shalt  }
0x49: {  	_ =	shalt  }
0x4a: {  	_ =	shalt  }
0x4b: {  	_ =	shalt  }
0x4c: {  	_ =	shalt  }
0x4d: {  	_ =	shalt  }
0x4e: {  	_ =	shalt  }
0x4f: {  	_ =	shalt  }
0x50: {  	_ =	shalt  }
0x51: {  	_ =	shalt  }
0x52: {  	_ =	shalt  }
0x53: {  	_ =	shalt  }
0x54: {  	_ =	shalt  }
0x55: {  	_ =	shalt  }
0x56: {  	_ =	shalt  }
0x57: {  	_ =	shalt  }
0x58: {  	_ =	shalt  }
0x59: {  	_ =	shalt  }
0x5a: {  	_ =	shalt  }
0x5b: {  	_ =	shalt  }
0x5c: {  	_ =	shalt  }
0x5d: {  	_ =	shalt  }
0x5e: {  	_ =	shalt  }
0x5f: {  	_ =	shalt  }
0x60: {  	_ =	shalt  }
0x61: {  	_ =	shalt  }
0x62: {  	_ =	shalt  }
0x63: {  	_ =	shalt  }
0x64: {  	_ =	shalt  }
0x65: {  	_ =	shalt  }
0x66: {  	_ =	shalt  }
0x67: {  	_ =	shalt  }
0x68: {  	_ =	shalt  }
0x69: {  	_ =	shalt  }
0x6a: {  	_ =	shalt  }
0x6b: {  	_ =	shalt  }
0x6c: {  	_ =	shalt  }
0x6d: {  	_ =	shalt  }
0x6e: {  	_ =	shalt  }
0x6f: {  	_ =	shalt  }
0x70: {  	_ =	shalt  }
0x71: {  	_ =	shalt  }
0x72: {  	_ =	shalt  }
0x73: {  	_ =	shalt  }
0x74: {  	_ =	shalt  }
0x75: {  	_ =	shalt  }
0x76: {  	_ =	shalt  }
0x77: {  	_ =	shalt  }
0x78: {  	_ =	shalt  }
0x79: {  	_ =	shalt  }
0x7a: {  	_ =	shalt  }
0x7b: {  	_ =	shalt  }
0x7c: {  	_ =	shalt  }
0x7d: {  	_ =	shalt  }
0x7e: {  	_ =	shalt  }
0x7f: {  	_ =	shalt  }
0x80: {  	_ =	shalt  }
0x81: {  	_ =	shalt  }
0x82: {  	_ =	shalt  }
0x83: {  	_ =	shalt  }
0x84: {  	_ =	shalt  }
0x85: {  	_ =	shalt  }
0x86: {  	_ =	shalt  }
0x87: {  	_ =	shalt  }
.Lfunc_end0:
.L_simem_size_0:
called_computation_lowered:
.L_overlay_start_0:
0x88: {  	s2 =	sld [smem:$0x3FD9]  }
0x89: {  	s3 =	sld [smem:$0x3FFE];
	_ =	sdelay $0x1  }
0x8a: {  	s1 =	srdreg.scid  }
0x8b: {  	s0 =	sand.u32 $0x1, s1  }
0x8c: {  	s18 =	sshll.u32 s0, $0xA;
	s2 =	sadd.s32 s3, s2  }
0x8d: {  	s2 =	sadd.s32 s2, s18  }
0x8e: {  	[smem:$0x3FC6] =	sst s2  }
0x8f: {  	_ = 	snop  }
0x90: {  	s2 =	sld [smem:$0x3FC9]  }
0x91: {  	s19 =	sld [smem:$0x3FC8]  }
0x92: {  	s4 =	sld [smem:$0x3FD0];
	(tm) =	ssettm $0x1  }
0x93: {  	s5 =	sld [smem:$0x3FFB];
	_ =	sdelay $0x3  }
0x94: {  	_ =	strace s5  }
0x95: {  	s5 =	sld [smem:$0x3FFC];
	_ =	sdelay $0x3  }
0x96: {  	_ =	strace s5  }
0x97: {  	s5 =	sld [smem:$0x3FFD];
	_ =	sdelay $0x3  }
0x98: {  	_ =	strace s5  }
0x99: {  	_ =	strace $0x8FFFFFFF  }
0x9a: {  	s20 =	sld [smem:$0x3FDB];
	_ =	sdelay $0x1  }
0x9b: {  	s6 =	simm.s32 $_scs_section_size  }
0x9c: {  	s7 =	simm.s32 $_size__tile_overlayer_lowered;
	s8 =	simm.s32 $_tile_overlayer_lowered  }
0x9d: {  	s23 =	simm.s32 $0x1BFF;
	s22 =	sshll.u32 s8, $0x1;
	s5 =	sadd.s32 s6, s20  }
0x9e: {  	s9 =	simm.s32 $0x0;
	s21 =	sshll.u32 s7, $0x1;
	s7 =	sadd.s32 s22, s5  }
0x9f: {  	[timem:s9], [sflag:s23] =	dma.local [hbm:s7], s21  }
0xa0: {  	_ =	swait.ge [sflag:s23], s21  }
0xa1: {  	s6 =	ssub.s32 $0x0, s21;
	[sflag:s23] =	ssyncset.done $0x0  }
0xa2: {  	[sflag:s23] =	ssyncadd.s32 s6;
	_ =	sdelay $0x1  }
0xa3: {  	s24 =	simm.s32 $0x1B8B  }
0xa4: {  	_ =	swait.ge [sflag:s24], $0x1  }
0xa5: {  	[sflag:s24] =	ssyncset.done $0x0  }
0xa6: {  	s25 =	simm.s32 $0x1B8E;
	[sflag:s24] =	ssyncadd.s32 $0xFFFFFFFF  }
0xa7: {  	s26 =	simm.s32 $execute0_lowered;
	[smem:$0x3FD2] =	sst s25  }
0xa8: {  	s6 =	sshll.u32 s26, $0x1;
	_ =	strace $0x80000046;
	[dreg:$0x1] =	wrdreg $0xFFFFFFFF  }
0xa9: {  	s28 =	simm.s32 $_size_execute0_lowered;
	s5 =	sadd.s32 s5, s6;
	[dreg:$0x0] =	wrdreg $0x0  }
0xaa: {  	s6 =	sshll.u32 s28, $0x1;
	[dreg:$0x2] =	wrdreg s5  }
0xab: {  	[dreg:$0x3] =	wrdreg s6  }
0xac: {  	[dreg:$0x4] =	wrdreg $0xC0  }
0xad: {  	_ =	task [dreg:s9], $0x5FFFF  }
0xae: {  	[dreg:$0x1] =	wrdreg $0xFFFFFFFF  }
0xaf: {  	[dreg:$0x0] =	wrdreg $0x60  }
0xb0: {  	[dreg:$0x2] =	wrdreg s19  }
0xb1: {  	[dreg:$0x3] =	wrdreg s2  }
0xb2: {  	[dreg:$0x4] =	wrdreg s4  }
0xb3: {  	[dreg:$0x5] =	wrdreg $0x9  }
0xb4: {  	_ =	task.clear_ibuf [dreg:s9], $0x6FFFF;
	_ =	strace $0x90000046  }
0xb5: {  	s29 =	simm.s32 $0x9;
	_ =	strace $0x80000048  }
0xb6: {  	_ =	swait.ge [sflag:s29], $0x1  }
0xb7: {  	[sflag:s29] =	ssyncadd.s32 $0xFFFFFFFF  }
0xb8: {  	_ =	strace $0x90000048  }
0xb9: {  	_ =	sfence  }
0xba: {  	s30 =	sld [smem:$0x0];
	_ =	sdelay $0x2  }
0xbb: {  	s31 =	sshll.u32 s1, $0xD;
	s1 =	sshrl.u32 s1, $0x2  }
0xbc: {  	s3 =	sand.u32 $0x4000, s31;
	s1 =	sadd.s32 s1, s30  }
0xbd: {  	s0 =	sor.u32 s3, s0;
	s1 =	sshll.u32 s1, $0x11  }
0xbe: {  	s0 =	sor.u32 s1, s0  }
0xbf: {  	s0 =	sadd.s32 $0x8F2B, s0  }
0xc0: {  	[sflag:s0] =	ssyncadd.remote.s32 $0x1  }
0xc1: {  	_ =	sfence.sel $0xFFFF  }
0xc2: {  	[dreg:$0x0] =	wrdreg $0xFFFFFFFF;
	(pc) =	sbr.abs _section_cstart, $3  }
0xc3: {  	[dreg:$0x1] =	wrdreg $0xFFFFFFFF  }
0xc4: {  	_ =	task.clear_ibuf [dreg:s9], $0x2FFFF;
	_ =	strace $0x9FFFFFFF  }
0xc5: {  	(tm) =	ssettm $0x7FFFFFFF  }
tec
execute0_lowered:
.L_overlay_start_1:
0x0: {  	(tag) =	ssettag $0x1  }
0x1: {  	s1 =	rddreg [dreg:$0x0]  }
0x2: {  	s0 =	rddreg [dreg:$0x1]  }
0x3: {  	s28 =	rddreg [dreg:$0x2]  }
0x4: {  	s2 =	srdreg.scid;
	s3 =	stileid.u32;
	s4 =	simm.s32 $0x0  }
0x5: {  	s31 =	simm.s32 $0x1C00;
	s30 =	simm.s32 $0x11C00;
	s2 =	sand.u32 $0x1, s2  }
0x6: {  	s5 =	sshll.u32 s3, $0x8;
	[smem:$0x7FF] =	sst s4;
	s6 =	sshll.u32 s2, $0x7  }
0x7: {  	s14 =	sshll.u32 s3, $0xF;
	s7 =	ssub.s32 $0x2, s2;
	s5 =	sor.u32 s6, s5  }
0x8: {  	_ =	strace $0x80000047;
	s9 =	sshrl.u32 s7, $0x1;
	s0 =	sadd.s32 s0, s5  }
0x9: {  	s8 =	sshll.u32 s5, $0x4;
	[dreg:$0x4] =	wrdreg s0;
	s0 =	sadd.s32 $0x6000, s0  }
0xa: {  	s6 =	ssub.s32 s7, s9;
	s10 =	sadd.s32 s28, s8;
	[dreg:$0x6] =	wrdreg s0  }
0xb: {  	s2 =	sshll.u32 s2, $0xE;
	s21 =	smax.u32 s6, $0x1;
	[dreg:$0x5] =	wrdreg s10  }
0xc: {  	s7 =	simm.s32 $0x3;
	s11 =	sadd.s32 $0x10000, s10;
	[dreg:$0xe] =	wrdreg s21  }
0xd: {  	s9 =	simm.s32 $0x4;
	s12 =	sadd.s32 $0x2C0000, s10;
	[dreg:$0x7] =	wrdreg s11  }
0xe: {  	s8 =	simm.s32 $0x7;
	s13 =	sadd.s32 $0x2D0000, s10;
	[dreg:$0x8] =	wrdreg s12  }
0xf: {  	s15 =	sadd.s32 $0x2E0000, s10;
	s16 =	sadd.s32 $0x2F0000, s10;
	[dreg:$0x9] =	wrdreg s13  }
0x10: {  	s0 =	sor.u32 s2, s14;
	s17 =	sadd.s32 $0x300000, s10;
	[dreg:$0xa] =	wrdreg s15  }
0x11: {  	s20 =	sadd.s32 $0x310000, s10;
	s10 =	simm.s32 $0x8;
	[dreg:$0xb] =	wrdreg s16  }
0x12: {  	s14 =	simm.s32 $0xB;
	[dreg:$0xc] =	wrdreg s17;
	s18 =	sor.u32 $0x280000, s0  }
0x13: {  	s19 =	sor.u32 $0x200000, s0;
	[dreg:$0xd] =	wrdreg s20;
	s23 =	sor.u32 $0x180000, s0  }
0x14: {  	s24 =	sor.u32 $0x100000, s0;
	s25 =	sor.u32 $0x380000, s0;
	s0 =	sor.u32 $0x300000, s0  }
0x15: {  	s17 =	simm.s32 $0x1800;
	s11 =	simm.s32 $0x5;
	s12 =	simm.s32 $0x9  }
0x16: {  	s13 =	simm.s32 $0xA;
	s15 =	simm.s32 $0xC;
	s2 =	sshrl.u32 s18, $0x3  }
0x17: {  	s5 =	sshrl.u32 s19, $0x3;
	[dreg:$0x14] =	wrdreg s0;
	s2 =	sadd.s32 s2, s28  }
0x18: {  	s6 =	sshrl.u32 s25, $0x3;
	s22 =	sadd.s32 s5, s28;
	[dreg:$0xf] =	wrdreg s2  }
0x19: {  	s5 =	sshrl.u32 s24, $0x3;
	s29 =	sadd.s32 s6, s28;
	[dreg:$0x10] =	wrdreg s22  }
0x1a: {  	s2 =	sshrl.u32 s23, $0x3;
	s26 =	sadd.s32 s5, s28;
	[dreg:$0x13] =	wrdreg s29  }
0x1b: {  	s0 =	simm.s32 $0x0;
	s2 =	sadd.s32 s2, s28;
	[dreg:$0x12] =	wrdreg s26  }
0x1c: {  	s5 =	simm.s32 $0x6;
	s26 =	simm.s32 $0x80;
	[dreg:$0x11] =	wrdreg s2  }
.LBB2_1:
0x1d: {  	[dreg:$0x15] =	wrdreg s0  }
0x1e: {  	s3 =	rddreg [dreg:$0x4];
	s6 =	simm.s32 $0x400;
	s16 =	simm.s32 $0x8000  }
0x1f: {  	[tilespmem:s4], [sflag:$0xD] =	stream.strided.gather [hbm4b:s3+s6], $0x1800, s16, s6, $0x38;
	[tilespmem:$0x19C00] =	vst v63  }
0x20: {  	s25 =	rddreg [dreg:$0x6];
	s29 =	simm.s32 $0xD  }
0x21: {  	[tilespmem:s17], [sflag:$0xD] =	stream.linear.gather [hbm4b:s25+s4], $0x100, $0x38;
	[tilespmem:$0x19C00] =	vst v63  }
0x22: {  	_ =	swait.ge [sflag:s29], $0x1900  }
0x23: {  	[sflag:s29] =	ssyncset.done $0x0  }
0x24: {  	s21 =	simm.s32 $0x1C00;
	[sflag:s29] =	ssyncadd.s32 $0xFFFFE700  }
0x25: {  	[tilespmem:s21], [sflag:$0x1] =	stream.indirect.gather [hbm4b:s1+s26], $0x80, s4, s26, $0xb8;
	[tilespmem:$0x19C00] =	vst v63  }
0x26: {  	s16 =	simm.s32 $0x5C00  }
0x27: {  	[tilespmem:s16], [sflag:$0x2] =	stream.indirect.gather [hbm4b:s1+s26], $0x80, s26, s26, $0xb8;
	[tilespmem:$0x19C00] =	vst v63  }
0x28: {  	s0 =	simm.s32 $0x100;
	s2 =	simm.s32 $0x9C00  }
0x29: {  	[tilespmem:s2], [sflag:$0x3] =	stream.indirect.gather [hbm4b:s1+s26], $0x80, s0, s26, $0xb8;
	[tilespmem:$0x19C00] =	vst v63  }
0x2a: {  	s18 =	simm.s32 $0xDC00;
	s6 =	simm.s32 $0x180  }
0x2b: {  	[tilespmem:s18], [sflag:$0x4] =	stream.indirect.gather [hbm4b:s1+s26], $0x80, s6, s26, $0xb8;
	[tilespmem:$0x19C00] =	vst v63  }
0x2c: {  	s22 =	simm.s32 $0x11C00;
	s23 =	simm.s32 $0x1;
	s17 =	simm.s32 $0x200  }
0x2d: {  	[tilespmem:s22], [sflag:$0x5] =	stream.indirect.gather [hbm4b:s1+s26], $0x80, s17, s26, $0xb8;
	[tilespmem:$0x19C00] =	vst v63  }
0x2e: {  	_ =	swait.ge [sflag:s23], $0x4000  }
0x2f: {  	[sflag:s23] =	ssyncset.done $0x0  }
0x30: {  	s19 =	rddreg [dreg:$0x5];
	[sflag:s23] =	ssyncadd.s32 $0xFFFFC000  }
0x31: {  	[hbm4b:s19+s4] =	stream.linear.scatter [tilespmem:s21], [sflag:$0x7], $0x4000, $0x38;
	[tilespmem:$0x19C00] =	vst v63  }
0x32: {  	s20 =	simm.s32 $0x280;
	s24 =	simm.s32 $0x15C00;
	s0 =	simm.s32 $0x2  }
0x33: {  	[tilespmem:s24], [sflag:$0x6] =	stream.indirect.gather [hbm4b:s1+s26], $0x80, s20, s26, $0xb8;
	[tilespmem:$0x19C00] =	vst v63  }
0x34: {  	_ =	swait.ge [sflag:s0], $0x4000  }
0x35: {  	[sflag:s0] =	ssyncset.done $0x0  }
0x36: {  	s25 =	rddreg [dreg:$0x7];
	[sflag:s0] =	ssyncadd.s32 $0xFFFFC000  }
0x37: {  	[hbm4b:s25+s4] =	stream.linear.scatter [tilespmem:s16], [sflag:$0x8], $0x4000, $0x38;
	[tilespmem:$0x19C00] =	vst v63  }
0x38: {  	_ =	swait.ge [sflag:s7], $0x4000  }
0x39: {  	[sflag:s7] =	ssyncset.done $0x0  }
0x3a: {  	[sflag:s7] =	ssyncadd.s32 $0xFFFFC000  }
0x3b: {  	_ =	swait.ge [sflag:s8], $0x4000  }
0x3c: {  	[sflag:s8] =	ssyncset.done $0x0  }
0x3d: {  	s29 =	simm.s32 $0x300;
	[sflag:s8] =	ssyncadd.s32 $0xFFFFC000  }
0x3e: {  	[tilespmem:s21], [sflag:$0x1] =	stream.indirect.gather [hbm4b:s1+s26], $0x80, s29, s26, $0xb8;
	[tilespmem:$0x19C00] =	vst v63  }
0x3f: {  	s17 =	rddreg [dreg:$0x12]  }
0x40: {  	[hbm4b:s17+s4] =	stream.linear.scatter [tilespmem:s2], [sflag:$0x9], $0x4000, $0x38;
	[tilespmem:$0x19C00] =	vst v63  }
0x41: {  	_ =	swait.ge [sflag:s9], $0x4000  }
0x42: {  	[sflag:s9] =	ssyncset.done $0x0  }
0x43: {  	[sflag:s9] =	ssyncadd.s32 $0xFFFFC000  }
0x44: {  	_ =	swait.ge [sflag:s10], $0x4000  }
0x45: {  	[sflag:s10] =	ssyncset.done $0x0  }
0x46: {  	s3 =	simm.s32 $0x380;
	[sflag:s10] =	ssyncadd.s32 $0xFFFFC000  }
0x47: {  	[tilespmem:s16], [sflag:$0x2] =	stream.indirect.gather [hbm4b:s1+s26], $0x80, s3, s26, $0xb8;
	[tilespmem:$0x19C00] =	vst v63  }
0x48: {  	s20 =	rddreg [dreg:$0x11]  }
0x49: {  	[hbm4b:s20+s4] =	stream.linear.scatter [tilespmem:s18], [sflag:$0xA], $0x4000, $0x38;
	[tilespmem:$0x19C00] =	vst v63  }
0x4a: {  	_ =	swait.ge [sflag:s11], $0x4000  }
0x4b: {  	[sflag:s11] =	ssyncset.done $0x0  }
0x4c: {  	[sflag:s11] =	ssyncadd.s32 $0xFFFFC000  }
0x4d: {  	_ =	swait.ge [sflag:s12], $0x4000  }
0x4e: {  	[sflag:s12] =	ssyncset.done $0x0  }
0x4f: {  	s19 =	simm.s32 $0x400;
	[sflag:s12] =	ssyncadd.s32 $0xFFFFC000  }
0x50: {  	[tilespmem:s2], [sflag:$0x3] =	stream.indirect.gather [hbm4b:s1+s26], $0x80, s19, s26, $0xb8;
	[tilespmem:$0x19C00] =	vst v63  }
0x51: {  	s19 =	rddreg [dreg:$0x10]  }
0x52: {  	[hbm4b:s19+s4] =	stream.linear.scatter [tilespmem:s22], [sflag:$0xB], $0x4000, $0x38;
	[tilespmem:$0x19C00] =	vst v63  }
0x53: {  	_ =	swait.ge [sflag:s5], $0x4000  }
0x54: {  	[sflag:s5] =	ssyncset.done $0x0  }
0x55: {  	[sflag:s5] =	ssyncadd.s32 $0xFFFFC000  }
0x56: {  	_ =	swait.ge [sflag:s13], $0x4000  }
0x57: {  	[sflag:s13] =	ssyncset.done $0x0  }
0x58: {  	s25 =	simm.s32 $0x480;
	[sflag:s13] =	ssyncadd.s32 $0xFFFFC000  }
0x59: {  	[tilespmem:s18], [sflag:$0x4] =	stream.indirect.gather [hbm4b:s1+s26], $0x80, s25, s26, $0xb8;
	[tilespmem:$0x19C00] =	vst v63  }
0x5a: {  	s3 =	rddreg [dreg:$0xf]  }
0x5b: {  	[hbm4b:s3+s4] =	stream.linear.scatter [tilespmem:s24], [sflag:$0xC], $0x4000, $0x38;
	[tilespmem:$0x19C00] =	vst v63  }
0x5c: {  	_ =	swait.ge [sflag:s23], $0x4000  }
0x5d: {  	[sflag:s23] =	ssyncset.done $0x0  }
0x5e: {  	[sflag:s23] =	ssyncadd.s32 $0xFFFFC000  }
0x5f: {  	_ =	swait.ge [sflag:s14], $0x4000  }
0x60: {  	[sflag:s14] =	ssyncset.done $0x0;
	s18 =	rddreg [dreg:$0x14]  }
0x61: {  	s29 =	simm.s32 $0x500;
	[sflag:s14] =	ssyncadd.s32 $0xFFFFC000;
	s2 =	sshrl.u32 s18, $0x3  }
0x62: {  	[tilespmem:s22], [sflag:$0x5] =	stream.indirect.gather [hbm4b:s1+s26], $0x80, s29, s26, $0xb8;
	[tilespmem:$0x19C00] =	vst v63  }
0x63: {  	s23 =	sadd.s32 s28, s2  }
0x64: {  	[hbm4b:s23+s4] =	stream.linear.scatter [tilespmem:s21], [sflag:$0x7], $0x4000, $0x38;
	[tilespmem:$0x19C00] =	vst v63  }
0x65: {  	_ =	swait.ge [sflag:s0], $0x4000  }
0x66: {  	[sflag:s0] =	ssyncset.done $0x0  }
0x67: {  	s6 =	simm.s32 $0xC00;
	[sflag:s0] =	ssyncadd.s32 $0xFFFFC000  }
0x68: {  	s17 =	sadd.s32 $0x60000, s17;
	s19 =	sadd.s32 $0x60000, s19;
	_ =	swait.ge [sflag:s15], $0x4000  }
0x69: {  	s25 =	simm.s32 $0x580;
	s16 =	sadd.s32 $0x300000, s18;
	[sflag:s15] =	ssyncset.done $0x0  }
0x6a: {  	s18 =	sadd.s32 $0x60000, s3;
	s29 =	rddreg [dreg:$0x13];
	[sflag:s15] =	ssyncadd.s32 $0xFFFFC000  }
0x6b: {  	[tilespmem:s24], [sflag:$0x6] =	stream.indirect.gather [hbm4b:s1+s26], $0x80, s25, s26, $0xb8;
	[tilespmem:$0x19C00] =	vst v63  }
0x6c: {  	s21 =	sadd.s32 $0x60000, s20;
	s20 =	smov.u32 s29;
	s25 =	sadd.s32 $0x60000, s29  }
.LBB2_2:
0x6d: {  	s29 =	simm.s32 $0x5C00  }
0x6e: {  	[hbm4b:s20+s4] =	stream.linear.scatter [tilespmem:s29], [sflag:$0x8], $0x4000, $0x38;
	[tilespmem:$0x19C00] =	vst v63  }
0x6f: {  	s24 =	smov.u32 s6;
	s20 =	smov.u32 s25  }
0x70: {  	p0 =	sne.s32 s6, $0x4800;
	s6 =	sadd.s32 $0xC00, s6;
	_ =	swait.ge [sflag:s7], $0x4000  }
0x71: {  	[sflag:s7] =	ssyncset.done $0x0  }
0x72: {  	[sflag:s7] =	ssyncadd.s32 $0xFFFFC000  }
0x73: {  	_ =	swait.ge [sflag:s8], $0x4000  }
0x74: {  	s24 =	sshra.s32 s24, $0x2;
	[sflag:s8] =	ssyncset.done $0x0  }
0x75: {  	s3 =	sadd.s32 $0x300, s24;
	[sflag:s8] =	ssyncadd.s32 $0xFFFFC000  }
0x76: {  	[tilespmem:s31], [sflag:$0x1] =	stream.indirect.gather [hbm4b:s1+s26], $0x80, s3, s26, $0xb8;
	[tilespmem:$0x19C00] =	vst v63  }
0x77: {  	s23 =	simm.s32 $0x9C00  }
0x78: {  	[hbm4b:s17+s4] =	stream.linear.scatter [tilespmem:s23], [sflag:$0x9], $0x4000, $0x38;
	[tilespmem:$0x19C00] =	vst v63  }
0x79: {  	_ =	swait.ge [sflag:s9], $0x4000  }
0x7a: {  	[sflag:s9] =	ssyncset.done $0x0  }
0x7b: {  	[sflag:s9] =	ssyncadd.s32 $0xFFFFC000  }
0x7c: {  	_ =	swait.ge [sflag:s10], $0x4000  }
0x7d: {  	[sflag:s10] =	ssyncset.done $0x0  }
0x7e: {  	s3 =	sadd.s32 $0x380, s24;
	[sflag:s10] =	ssyncadd.s32 $0xFFFFC000  }
0x7f: {  	[tilespmem:s29], [sflag:$0x2] =	stream.indirect.gather [hbm4b:s1+s26], $0x80, s3, s26, $0xb8;
	[tilespmem:$0x19C00] =	vst v63  }
0x80: {  	s29 =	simm.s32 $0xDC00  }
0x81: {  	[hbm4b:s21+s4] =	stream.linear.scatter [tilespmem:s29], [sflag:$0xA], $0x4000, $0x38;
	[tilespmem:$0x19C00] =	vst v63  }
0x82: {  	_ =	swait.ge [sflag:s11], $0x4000  }
0x83: {  	[sflag:s11] =	ssyncset.done $0x0  }
0x84: {  	[sflag:s11] =	ssyncadd.s32 $0xFFFFC000  }
0x85: {  	_ =	swait.ge [sflag:s12], $0x4000  }
0x86: {  	[sflag:s12] =	ssyncset.done $0x0  }
0x87: {  	s2 =	simm.s32 $0x9C00;
	s3 =	sadd.s32 $0x400, s24;
	[sflag:s12] =	ssyncadd.s32 $0xFFFFC000  }
0x88: {  	[tilespmem:s23], [sflag:$0x3] =	stream.indirect.gather [hbm4b:s1+s26], $0x80, s3, s26, $0xb8;
	[tilespmem:$0x19C00] =	vst v63  }
0x89: {  	_ = 	snop  }
0x8a: {  	[hbm4b:s19+s4] =	stream.linear.scatter [tilespmem:s30], [sflag:$0xB], $0x4000, $0x38;
	[tilespmem:$0x19C00] =	vst v63  }
0x8b: {  	_ =	swait.ge [sflag:s5], $0x4000  }
0x8c: {  	[sflag:s5] =	ssyncset.done $0x0  }
0x8d: {  	[sflag:s5] =	ssyncadd.s32 $0xFFFFC000  }
0x8e: {  	_ =	swait.ge [sflag:s13], $0x4000  }
0x8f: {  	[sflag:s13] =	ssyncset.done $0x0  }
0x90: {  	s3 =	sadd.s32 $0x480, s24;
	s23 =	simm.s32 $0xDC00;
	[sflag:s13] =	ssyncadd.s32 $0xFFFFC000  }
0x91: {  	[tilespmem:s29], [sflag:$0x4] =	stream.indirect.gather [hbm4b:s1+s26], $0x80, s3, s26, $0xb8;
	[tilespmem:$0x19C00] =	vst v63  }
0x92: {  	s0 =	simm.s32 $0x15C00;
	s3 =	simm.s32 $0x1  }
0x93: {  	[hbm4b:s18+s4] =	stream.linear.scatter [tilespmem:s0], [sflag:$0xC], $0x4000, $0x38;
	[tilespmem:$0x19C00] =	vst v63  }
0x94: {  	_ =	swait.ge [sflag:s3], $0x4000  }
0x95: {  	[sflag:s3] =	ssyncset.done $0x0  }
0x96: {  	[sflag:s3] =	ssyncadd.s32 $0xFFFFC000  }
0x97: {  	_ =	swait.ge [sflag:s14], $0x4000  }
0x98: {  	s22 =	simm.s32 $0x11C00;
	[sflag:s14] =	ssyncset.done $0x0  }
0x99: {  	s29 =	sshrl.u32 s16, $0x3;
	s3 =	sadd.s32 $0x500, s24;
	[sflag:s14] =	ssyncadd.s32 $0xFFFFC000  }
0x9a: {  	[tilespmem:s30], [sflag:$0x5] =	stream.indirect.gather [hbm4b:s1+s26], $0x80, s3, s26, $0xb8;
	[tilespmem:$0x19C00] =	vst v63  }
0x9b: {  	s3 =	sadd.s32 s28, s29  }
0x9c: {  	[hbm4b:s3+s4] =	stream.linear.scatter [tilespmem:s31], [sflag:$0x7], $0x4000, $0x38;
	[tilespmem:$0x19C00] =	vst v63  }
0x9d: {  	s3 =	simm.s32 $0x2  }
0x9e: {  	_ =	swait.ge [sflag:s3], $0x4000  }
0x9f: {  	[sflag:s3] =	ssyncset.done $0x0  }
0xa0: {  	[sflag:s3] =	ssyncadd.s32 $0xFFFFC000  }
.Ltmp0:
0xa1: {  	s25 =	sadd.s32 $0x60000, s25;
	_ =	swait.ge [sflag:s15], $0x4000;
	(pc) =	sbr.rel @p0 .LBB2_2-.Ltmp0, $4  }
0xa2: {  	s17 =	sadd.s32 $0x60000, s17;
	s16 =	sadd.s32 $0x300000, s16;
	[sflag:s15] =	ssyncset.done $0x0  }
0xa3: {  	s3 =	sadd.s32 $0x580, s24;
	s24 =	simm.s32 $0x15C00;
	[sflag:s15] =	ssyncadd.s32 $0xFFFFC000  }
0xa4: {  	[tilespmem:s0], [sflag:$0x6] =	stream.indirect.gather [hbm4b:s1+s26], $0x80, s3, s26, $0xb8;
	[tilespmem:$0x19C00] =	vst v63  }
0xa5: {  	s21 =	sadd.s32 $0x60000, s21;
	s19 =	sadd.s32 $0x60000, s19;
	s18 =	sadd.s32 $0x60000, s18  }
0xa6: {  	s16 =	simm.s32 $0x5C00  }
0xa7: {  	[hbm4b:s20+s4] =	stream.linear.scatter [tilespmem:s16], [sflag:$0x8], $0x4000, $0x38;
	[tilespmem:$0x19C00] =	vst v63  }
0xa8: {  	_ =	swait.ge [sflag:s7], $0x4000  }
0xa9: {  	[sflag:s7] =	ssyncset.done $0x0  }
0xaa: {  	[sflag:s7] =	ssyncadd.s32 $0xFFFFC000  }
0xab: {  	_ =	swait.ge [sflag:s8], $0x4000  }
0xac: {  	[sflag:s8] =	ssyncset.done $0x0  }
0xad: {  	s17 =	simm.s32 $0x1800;
	s6 =	simm.s32 $0x1C00;
	[sflag:s8] =	ssyncadd.s32 $0xFFFFC000  }
0xae: {  	[tilespmem:s6], [sflag:$0x1] =	stream.indirect.gather [hbm4b:s1+s26], $0x80, s17, s26, $0xb8;
	[tilespmem:$0x19C00] =	vst v63  }
0xaf: {  	s3 =	rddreg [dreg:$0x8]  }
0xb0: {  	[hbm4b:s3+s4] =	stream.linear.scatter [tilespmem:s2], [sflag:$0x9], $0x4000, $0x38;
	[tilespmem:$0x19C00] =	vst v63  }
0xb1: {  	_ =	swait.ge [sflag:s9], $0x4000  }
0xb2: {  	[sflag:s9] =	ssyncset.done $0x0  }
0xb3: {  	[sflag:s9] =	ssyncadd.s32 $0xFFFFC000  }
0xb4: {  	_ =	swait.ge [sflag:s10], $0x4000  }
0xb5: {  	[sflag:s10] =	ssyncset.done $0x0  }
0xb6: {  	s0 =	simm.s32 $0x1880;
	[sflag:s10] =	ssyncadd.s32 $0xFFFFC000  }
0xb7: {  	[tilespmem:s16], [sflag:$0x2] =	stream.indirect.gather [hbm4b:s1+s26], $0x80, s0, s26, $0xb8;
	[tilespmem:$0x19C00] =	vst v63  }
0xb8: {  	s18 =	rddreg [dreg:$0x9]  }
0xb9: {  	[hbm4b:s18+s4] =	stream.linear.scatter [tilespmem:s23], [sflag:$0xA], $0x4000, $0x38;
	[tilespmem:$0x19C00] =	vst v63  }
0xba: {  	_ =	swait.ge [sflag:s11], $0x4000  }
0xbb: {  	[sflag:s11] =	ssyncset.done $0x0  }
0xbc: {  	[sflag:s11] =	ssyncadd.s32 $0xFFFFC000  }
0xbd: {  	_ =	swait.ge [sflag:s12], $0x4000  }
0xbe: {  	[sflag:s12] =	ssyncset.done $0x0  }
0xbf: {  	s19 =	rddreg [dreg:$0xa];
	[sflag:s12] =	ssyncadd.s32 $0xFFFFC000  }
0xc0: {  	[hbm4b:s19+s4] =	stream.linear.scatter [tilespmem:s22], [sflag:$0xB], $0x4000, $0x38;
	[tilespmem:$0x19C00] =	vst v63  }
0xc1: {  	_ =	swait.ge [sflag:s5], $0x4000  }
0xc2: {  	[sflag:s5] =	ssyncset.done $0x0  }
0xc3: {  	[sflag:s5] =	ssyncadd.s32 $0xFFFFC000  }
0xc4: {  	_ =	swait.ge [sflag:s13], $0x4000  }
0xc5: {  	[sflag:s13] =	ssyncset.done $0x0  }
0xc6: {  	s21 =	simm.s32 $0x1;
	s20 =	rddreg [dreg:$0xb];
	[sflag:s13] =	ssyncadd.s32 $0xFFFFC000  }
0xc7: {  	[hbm4b:s20+s4] =	stream.linear.scatter [tilespmem:s24], [sflag:$0xC], $0x4000, $0x38;
	[tilespmem:$0x19C00] =	vst v63  }
0xc8: {  	_ =	swait.ge [sflag:s21], $0x4000  }
0xc9: {  	[sflag:s21] =	ssyncset.done $0x0  }
0xca: {  	[sflag:s21] =	ssyncadd.s32 $0xFFFFC000  }
0xcb: {  	_ =	swait.ge [sflag:s14], $0x4000  }
0xcc: {  	[sflag:s14] =	ssyncset.done $0x0  }
0xcd: {  	s23 =	simm.s32 $0x2;
	s22 =	rddreg [dreg:$0xc];
	[sflag:s14] =	ssyncadd.s32 $0xFFFFC000  }
0xce: {  	[hbm4b:s22+s4] =	stream.linear.scatter [tilespmem:s6], [sflag:$0x7], $0x4000, $0x38;
	[tilespmem:$0x19C00] =	vst v63  }
0xcf: {  	_ =	swait.ge [sflag:s23], $0x4000  }
0xd0: {  	[sflag:s23] =	ssyncset.done $0x0  }
0xd1: {  	[sflag:s23] =	ssyncadd.s32 $0xFFFFC000  }
0xd2: {  	_ =	swait.ge [sflag:s15], $0x4000  }
0xd3: {  	[sflag:s15] =	ssyncset.done $0x0  }
0xd4: {  	s24 =	rddreg [dreg:$0xd];
	[sflag:s15] =	ssyncadd.s32 $0xFFFFC000  }
0xd5: {  	[hbm4b:s24+s4] =	stream.linear.scatter [tilespmem:s16], [sflag:$0x8], $0x4000, $0x38;
	[tilespmem:$0x19C00] =	vst v63  }
0xd6: {  	_ =	swait.ge [sflag:s8], $0x4000  }
0xd7: {  	[sflag:s8] =	ssyncset.done $0x0  }
0xd8: {  	[sflag:s8] =	ssyncadd.s32 $0xFFFFC000  }
0xd9: {  	_ =	swait.ge [sflag:s10], $0x4000  }
0xda: {  	s25 =	rddreg [dreg:$0x15]  }
0xdb: {  	s29 =	rddreg [dreg:$0xe];
	s0 =	sadd.s32 $0x1, s25  }
0xdc: {  	p0 =	sne.s32 s0, s29  }
.Ltmp1:
0xdd: {  	_ = 	snop;
	(pc) =	sbr.rel @p0 .LBB2_1-.Ltmp1, $3  }
0xde: {  	_ =	sdelay $0x1  }
0xdf: {  	[sflag:s10] =	ssyncset.done $0x0  }
0xe0: {  	[sflag:s10] =	ssyncadd.s32 $0xFFFFC000  }
0xe1: {  	_ =	sfence.sel $0x180000  }
0xe2: {  	[bflag:$0x0] =	sbarrier.arrive $0xFFFF  }
0xe3: {  	_ =	strace $0x90000047  }
0xe4: {  	s0 =	stileid.u32;
	[bflag:$0x2] =	sbarrier.arrive $0xFFFF  }
0xe5: {  	p0 =	sne.s32 s0, $0x0;
	s0 =	rddreg [dreg:$0x3]  }
0xe6: {  	s0 =	sadd.s32 @!p0 $0x100000, s0  }
0xe7: {  	[sflag:s0] =	ssyncadd.tile.s32 @!p0 $0x1;
	_ =	shalt  }
.Lfunc_end2:
_tile_overlayer_lowered:
.L_overlay_start_2:
0xe8: {  	(tag) =	ssettag $0x2  }
0xe9: {  	s0 =	rddreg [dreg:$0x0];
	s2 =	stileid.u32  }
0xea: {  	s1 =	rddreg [dreg:$0x1];
	p0 =	sne.s32 s2, $0x0  }
0xeb: {  	s3 =	rddreg [dreg:$0x2];
	[bflag:$0x3] =	sbarrier.arrive $0xFFFF;
	s2 =	simm.s32 @!p0 $0x1C0D  }
0xec: {  	[timem:s3], [sflag:s2] =	dma.local @!p0 [hbm:s0], s1  }
0xed: {  	s0 =	simm.s32 @!p0 $0xD  }
0xee: {  	_ =	swait.ge @!p0 [sflag:s0], s1  }
0xef: {  	s1 =	ssub.s32 @!p0 $0x0, s1;
	[sflag:s0] =	ssyncset.done @!p0 $0x0  }
0xf0: {  	[sflag:s0] =	ssyncadd.s32 @!p0 s1  }
0xf1: {  	[bflag:$0x3] =	sbarrier.arrive $0xFFFF  }
0xf2: {  	_ =	shalt  }

</sc_bundles>
